<compile_context>
chip_gen: v7x
topology: tpu7x:2x2x1
jax: 0.10.2.dev20260603
libtpu: 0.0.44.dev20260713+nightly
codegen_flags: <defaults>
</compile_context>

<pallas_src>
import jax
import jax.numpy as jnp
from jax import lax
from jax.experimental import pallas as pl
from jax.experimental.pallas import tpu as pltpu
from jax.experimental.pallas import tpu_sc as plsc

N = 10000
E = 320000
D = 128
NPAD = 10240
NC, NS = 2, 16
NW = NC * NS
EW = E // NW
C = 80
NCHUNK = EW // C

BN = 2000
BE = 4000


def _proj_body(h_ref, wq_ref, wk_ref, w1_ref, w2_ref,
               bq_ref, bk_ref, b1_ref, b2_ref, q_ref, k_ref, v_ref):
    hb = h_ref[...]
    q_ref[...] = jnp.dot(hb, wq_ref[...], preferred_element_type=jnp.float32) + bq_ref[...]
    k_ref[...] = jnp.dot(hb, wk_ref[...], preferred_element_type=jnp.float32) + bk_ref[...]
    vh = jnp.maximum(jnp.dot(hb, w1_ref[...], preferred_element_type=jnp.float32) + b1_ref[...], 0.0)
    v_ref[...] = jnp.dot(vh, w2_ref[...], preferred_element_type=jnp.float32) + b2_ref[...]


def _tc_proj(h, WqT, WkT, W1T, W2T, bq, bk, b1, b2):
    nblk = N // BN
    w_spec = pl.BlockSpec((D, D), lambda i: (0, 0))
    b_spec = pl.BlockSpec((1, D), lambda i: (0, 0))
    r_spec = pl.BlockSpec((BN, D), lambda i: (i, 0))
    return pl.pallas_call(
        _proj_body,
        grid=(nblk,),
        in_specs=[r_spec, w_spec, w_spec, w_spec, w_spec,
                  b_spec, b_spec, b_spec, b_spec],
        out_specs=[r_spec, r_spec, r_spec],
        out_shape=[jax.ShapeDtypeStruct((N, D), jnp.float32)] * 3,
    )(h, WqT, WkT, W1T, W2T, bq, bk, b1, b2)


def _gather3_body(q_hbm, k_hbm, v_hbm, ni_hbm, nj_hbm,
                  qg_hbm, kg_hbm, vg_hbm, idx_i, idx_j, bq, bk, bv, sem):
    wid = lax.axis_index("s") * NC + lax.axis_index("c")

    def chunk(c, _):
        base = wid * EW + c * C
        pltpu.sync_copy(ni_hbm.at[pl.ds(base, C)], idx_i)
        pltpu.sync_copy(nj_hbm.at[pl.ds(base, C)], idx_j)
        c1 = pltpu.async_copy(q_hbm.at[idx_i], bq, sem)
        c2 = pltpu.async_copy(k_hbm.at[idx_j], bk, sem)
        c3 = pltpu.async_copy(v_hbm.at[idx_j], bv, sem)
        c1.wait()
        c2.wait()
        c3.wait()
        pltpu.sync_copy(bq, qg_hbm.at[pl.ds(base, C)])
        pltpu.sync_copy(bk, kg_hbm.at[pl.ds(base, C)])
        pltpu.sync_copy(bv, vg_hbm.at[pl.ds(base, C)])
        return _

    lax.fori_loop(0, NCHUNK, chunk, 0)


def _sc_gather3(q, k, v, n_i, n_j):
    mesh = plsc.VectorSubcoreMesh(core_axis_name="c", subcore_axis_name="s")
    f = pl.kernel(
        _gather3_body,
        out_type=[jax.ShapeDtypeStruct((E, D), jnp.float32)] * 3,
        mesh=mesh,
        scratch_types=[
            pltpu.VMEM((C,), jnp.int32),
            pltpu.VMEM((C,), jnp.int32),
            pltpu.VMEM((C, D), jnp.float32),
            pltpu.VMEM((C, D), jnp.float32),
            pltpu.VMEM((C, D), jnp.float32),
            pltpu.SemaphoreType.DMA,
        ],
    )
    return f(q, k, v, n_i, n_j)


def _ex_body(qg_ref, kg_ref, t_ref, wre_ref, bre_ref, out_ref):
    re = jnp.maximum(
        jnp.dot(t_ref[...], wre_ref[...], preferred_element_type=jnp.float32)
        + bre_ref[...], 0.0)
    prod = qg_ref[...] * kg_ref[...] * re
    row = lax.broadcasted_iota(jnp.int32, (D, 16), 0)
    col = lax.broadcasted_iota(jnp.int32, (D, 16), 1)
    sel = jnp.where((row // 16) == col, 1.0, 0.0).astype(jnp.float32)
    a16 = jnp.dot(prod, sel, preferred_element_type=jnp.float32)
    lane = lax.broadcasted_iota(jnp.int32, a16.shape, 1)
    out_ref[...] = jnp.where(lane == 8, 1.0,
                             jnp.where(lane < 8, jnp.exp(a16), 0.0))


def _tc_ex(qg, kg, t_ij, WreT, bre):
    nblk = E // BE
    return pl.pallas_call(
        _ex_body,
        grid=(nblk,),
        in_specs=[pl.BlockSpec((BE, D), lambda i: (i, 0)),
                  pl.BlockSpec((BE, D), lambda i: (i, 0)),
                  pl.BlockSpec((BE, 16), lambda i: (i, 0)),
                  pl.BlockSpec((16, D), lambda i: (0, 0)),
                  pl.BlockSpec((1, D), lambda i: (0, 0))],
        out_specs=pl.BlockSpec((BE, 16), lambda i: (i, 0)),
        out_shape=jax.ShapeDtypeStruct((E, 16), jnp.float32),
    )(qg, kg, t_ij, WreT, bre)


ROWS_PER_TILE = NPAD // NS


def _scatter_body(ex_hbm, ni_hbm, zero_hbm, acc2_hbm, idx, exbuf, acc_sp, sem):
    cid = lax.axis_index("c")
    sid = lax.axis_index("s")
    wid = sid * NC + cid
    pltpu.sync_copy(zero_hbm.at[pl.ds(sid * ROWS_PER_TILE, ROWS_PER_TILE)],
                    acc_sp.at[pl.ds(sid * ROWS_PER_TILE, ROWS_PER_TILE)])
    plsc.subcore_barrier()

    def chunk(c, _):
        base = wid * EW + c * C
        pltpu.sync_copy(ni_hbm.at[pl.ds(base, C)], idx)
        pltpu.sync_copy(ex_hbm.at[pl.ds(base, C)], exbuf)
        pltpu.sync_copy(exbuf, acc_sp.at[idx], add=True)
        return _

    lax.fori_loop(0, NCHUNK, chunk, 0)
    plsc.subcore_barrier()
    pltpu.sync_copy(acc_sp.at[pl.ds(sid * ROWS_PER_TILE, ROWS_PER_TILE)],
                    acc2_hbm.at[cid, pl.ds(sid * ROWS_PER_TILE, ROWS_PER_TILE)])


def _sc_scatter(exrow, n_i, zero):
    mesh = plsc.VectorSubcoreMesh(core_axis_name="c", subcore_axis_name="s")
    f = pl.kernel(
        _scatter_body,
        out_type=jax.ShapeDtypeStruct((NC, NPAD, 16), jnp.float32),
        mesh=mesh,
        scratch_types=[
            pltpu.VMEM((C,), jnp.int32),
            pltpu.VMEM((C, 16), jnp.float32),
            pltpu.VMEM_SHARED((NPAD, 16), jnp.float32),
            pltpu.SemaphoreType.DMA,
        ],
    )
    return f(exrow, n_i, zero)


def _scale_body(a0_ref, a1_ref, out_ref):
    acc = a0_ref[...] + a1_ref[...]
    safe = jnp.where(acc == 0.0, 1.0, acc)
    sq = jnp.sqrt(acc[:, 8:9])
    scale16 = sq / (4.0 * safe)
    lane = lax.broadcasted_iota(jnp.int32, (NPAD, D), 1)
    row = lax.broadcasted_iota(jnp.int32, (16, D), 0)
    col = lax.broadcasted_iota(jnp.int32, (16, D), 1)
    put = jnp.where((col == row) & (col < 8), 1.0, 0.0).astype(jnp.float32)
    out_ref[...] = jnp.dot(scale16, put, preferred_element_type=jnp.float32)


def _tc_scale(acc2):
    return pl.pallas_call(
        _scale_body,
        grid=(1,),
        in_specs=[pl.BlockSpec((NPAD, 16), lambda i: (0, 0)),
                  pl.BlockSpec((NPAD, 16), lambda i: (0, 0))],
        out_specs=pl.BlockSpec((NPAD, D), lambda i: (0, 0)),
        out_shape=jax.ShapeDtypeStruct((NPAD, D), jnp.float32),
    )(acc2[0], acc2[1])


def _coef_body(ex_hbm, ni_hbm, scale_hbm, coef_hbm, idx, exbuf, sbuf, sem):
    wid = lax.axis_index("s") * NC + lax.axis_index("c")

    def chunk(c, _):
        base = wid * EW + c * C
        pltpu.sync_copy(ni_hbm.at[pl.ds(base, C)], idx)
        pltpu.sync_copy(ex_hbm.at[pl.ds(base, C)], exbuf)
        pltpu.async_copy(scale_hbm.at[idx], sbuf, sem).wait()

        def row(i, _):
            exbuf[i, :] = exbuf[i, :] * sbuf[i, pl.ds(0, 16)]
            return _

        lax.fori_loop(0, C, row, 0)
        pltpu.sync_copy(exbuf, coef_hbm.at[pl.ds(base, C)])
        return _

    lax.fori_loop(0, NCHUNK, chunk, 0)


def _sc_coef(exrow, n_i, scale):
    mesh = plsc.VectorSubcoreMesh(core_axis_name="c", subcore_axis_name="s")
    f = pl.kernel(
        _coef_body,
        out_type=jax.ShapeDtypeStruct((E, 16), jnp.float32),
        mesh=mesh,
        scratch_types=[
            pltpu.VMEM((C,), jnp.int32),
            pltpu.VMEM((C, 16), jnp.float32),
            pltpu.VMEM((C, D), jnp.float32),
            pltpu.SemaphoreType.DMA,
        ],
    )
    return f(exrow, n_i, scale)


def _comb_body(coef_ref, vg_ref, wc_ref, bc_ref, out_ref):
    row = lax.broadcasted_iota(jnp.int32, (16, D), 0)
    col = lax.broadcasted_iota(jnp.int32, (16, D), 1)
    expand = jnp.where((col // 16) == row, 1.0, 0.0).astype(jnp.float32)
    c128 = jnp.dot(coef_ref[...], expand, preferred_element_type=jnp.float32)
    out_ref[...] = jnp.dot(c128 * vg_ref[...], wc_ref[...],
                           preferred_element_type=jnp.float32) + bc_ref[...]


def _tc_comb(coef, vg, WcT, bc):
    nblk = E // BE
    return pl.pallas_call(
        _comb_body,
        grid=(nblk,),
        in_specs=[pl.BlockSpec((BE, 16), lambda i: (i, 0)),
                  pl.BlockSpec((BE, D), lambda i: (i, 0)),
                  pl.BlockSpec((D, D), lambda i: (0, 0)),
                  pl.BlockSpec((1, D), lambda i: (0, 0))],
        out_specs=pl.BlockSpec((BE, D), lambda i: (i, 0)),
        out_shape=jax.ShapeDtypeStruct((E, D), jnp.float32),
    )(coef, vg, WcT, bc)


def kernel(h, t_ij, edge_index, Wq, bq, Wk, bk, W1, b1, W2, b2, Wre, bre, Wc, bc):
    n_j = edge_index[0]
    n_i = edge_index[1]
    q, k, v = _tc_proj(h, Wq.T, Wk.T, W1.T, W2.T,
                       bq.reshape(1, D), bk.reshape(1, D),
                       b1.reshape(1, D), b2.reshape(1, D))
    qg, kg, vg = _sc_gather3(q, k, v, n_i, n_j)
    exrow = _tc_ex(qg, kg, t_ij, Wre.T, bre.reshape(1, D))
    zero = jnp.zeros((NPAD, 16), jnp.float32)
    acc2 = _sc_scatter(exrow, n_i, zero)
    scale = _tc_scale(acc2)
    coef = _sc_coef(exrow, n_i, scale)
    return _tc_comb(coef, vg, Wc.T, bc.reshape(1, D))

# --- scband reference (transcript-rebuilt; emitter-appended) ---
"""Pipeline reference for scband-self-attention-layer-52905407152735 (READ-ONLY COPY).

The authoritative reference and input builder live on the scoring server;
editing this copy changes nothing except your own understanding.
"""

import jax, jax.numpy as jnp
import numpy as np
import math

N = 10000
E = 320000
D = 128      # node_dim
H = 8        # attention_heads
ED = 16      # edge_dim
OUT = 128    # out_features


def setup_inputs(seed: int = 0) -> dict:
    key = jax.random.key(seed)
    ks = jax.random.split(key, 16)
    h = jax.random.normal(ks[0], (N, D), dtype=jnp.float32)
    t_ij = jax.random.normal(ks[1], (E, ED), dtype=jnp.float32)
    edge_index = jax.random.randint(ks[2], (2, E), 0, N, dtype=jnp.int32)
    s = 0.05
    Wq = jax.random.normal(ks[3], (D, D), dtype=jnp.float32) * s
    bq = jnp.zeros((D,), dtype=jnp.float32)
    Wk = jax.random.normal(ks[4], (D, D), dtype=jnp.float32) * s
    bk = jnp.zeros((D,), dtype=jnp.float32)
    W1 = jax.random.normal(ks[5], (D, D), dtype=jnp.float32) * s
    b1 = jnp.zeros((D,), dtype=jnp.float32)
    W2 = jax.random.normal(ks[6], (OUT, D), dtype=jnp.float32) * s
    b2 = jnp.zeros((OUT,), dtype=jnp.float32)
    Wre = jax.random.normal(ks[7], (D, ED), dtype=jnp.float32) * s
    bre = jnp.zeros((D,), dtype=jnp.float32)
    Wc = jax.random.normal(ks[8], (OUT, OUT), dtype=jnp.float32) * s
    bc = jnp.zeros((OUT,), dtype=jnp.float32)
    return {"h": h, "t_ij": t_ij, "edge_index": edge_index,
            "Wq": Wq, "bq": bq, "Wk": Wk, "bk": bk,
            "W1": W1, "b1": b1, "W2": W2, "b2": b2,
            "Wre": Wre, "bre": bre, "Wc": Wc, "bc": bc}


def reference(h, t_ij, edge_index, Wq, bq, Wk, bk, W1, b1, W2, b2, Wre, bre, Wc, bc):
    n_j = edge_index[0]
    n_i = edge_index[1]
    d_head = D // H
    d_head_v = OUT // H
    # per-node projections then edge-gather
    q_all = (h @ Wq.T + bq).reshape(N, H, d_head)
    k_all = (h @ Wk.T + bk).reshape(N, H, d_head)
    # MLP value head: Linear -> ReLU -> Linear
    v_hidden = jax.nn.relu(h @ W1.T + b1)
    v_all = (v_hidden @ W2.T + b2).reshape(N, H, d_head_v)
    q_i = q_all[n_i]
    k_j = k_all[n_j]
    v_j = v_all[n_j]
    re = jax.nn.relu(t_ij @ Wre.T + bre).reshape(E, H, d_head)
    a_ij = jnp.sum(q_i * k_j * re, axis=-1, keepdims=True)  # [E, H, 1]
    # scatter_softmax over incoming edges of each dst node
    amax = jax.lax.stop_gradient(jax.ops.segment_max(a_ij, n_i, num_segments=N))
    ex = jnp.exp(a_ij - amax[n_i])
    denom = jax.ops.segment_sum(ex, n_i, num_segments=N)
    a_i = ex / denom[n_i]
    # degree normalization
    cnt = jax.ops.segment_sum(jnp.ones((E, 1, 1), dtype=jnp.float32), n_i, num_segments=N)
    norm = jnp.sqrt(cnt) / math.sqrt(d_head_v)
    a_i = a_i * norm[n_i]  # dropout is identity in eval
    sea_ij = (a_i * v_j).reshape(E, -1)
    sea_ij = sea_ij @ Wc.T + bc  # combine_heads; dropout identity
    return sea_ij

if __name__ == "__main__":
    import jax
    _d = setup_inputs()
    print(jax.jit(kernel)(*tuple(_d.values())))

</pallas_src>

<mosaic_0001>
#map = affine_map<(d0, d1) -> (0, 0)>
#map1 = affine_map<(d0, d1) -> (0)>
module attributes {stable_mosaic.version = 14 : i64} {
  func.func @_coef_body(%arg0: i32, %arg1: i32, %arg2: memref<320000x16xf32, #tpu.memory_space<hbm>>, %arg3: memref<320000xi32, #tpu.memory_space<hbm>>, %arg4: memref<10240x128xf32, #tpu.memory_space<hbm>>, %arg5: memref<320000x16xf32, #tpu.memory_space<hbm>>, %arg6: memref<80xi32, #tpu.memory_space<vmem>>, %arg7: memref<80x16xf32, #tpu.memory_space<vmem>>, %arg8: memref<80x128xf32, #tpu.memory_space<vmem>>, %arg9: memref<!tpu.dma_semaphore, #tpu.memory_space<semaphore_mem>>) attributes {dimension_semantics = [#tpu.dimension_semantics<core_parallel>, #tpu.dimension_semantics<subcore_parallel>], iteration_bounds = array<i64: 2, 16>, scalar_prefetch = 0 : i64, scratch_operands = 4 : i64, tpu.core_type = #tpu.core_type<sc_vector_subcore>, window_params = [{transform_indices = #map}, {transform_indices = #map1}, {transform_indices = #map}, {transform_indices = #map}]} {
    %mul3A = arith.constant 2 : i32
    %mul3A_0 = arith.muli %arg1, %mul3A : i32
    %add3A = arith.addi %mul3A_0, %arg0 : i32
    %scan3A = arith.constant 0 : i32
    %scan3A_1 = arith.constant 0 : i32
    %scan3A_2 = arith.constant 125 : i32
    %scan3A_3 = arith.addi %scan3A_1, %scan3A_2 : i32
    %scan3A_4 = arith.constant 1 : i32
    scf.for %scan3A_6 = %scan3A_1 to %scan3A_3 step %scan3A_4  : i32 {
      %mul3A_7 = arith.constant 10000 : i32
      %mul3A_8 = arith.muli %add3A, %mul3A_7 : i32
      %mul3A_9 = arith.constant 80 : i32
      %mul3A_10 = arith.muli %scan3A_6, %mul3A_9 : i32
      %add3A_11 = arith.addi %mul3A_8, %mul3A_10 : i32
      "tpu.region"() ({
        %run_scoped3A = tpu.sem_alloc : memref<!tpu.dma_semaphore, #tpu.memory_space<semaphore_mem>>
        %dma_start3A_22 = tpu.memref_slice %arg3[%add3A_11] : memref<320000xi32, #tpu.memory_space<hbm>> -> memref<80xi32, #tpu.memory_space<hbm>>
        %dma_start3A_23 = tpu.memref_slice %arg3[%add3A_11] : memref<320000xi32, #tpu.memory_space<hbm>> -> memref<80xi32, #tpu.memory_space<hbm>>
        tpu.enqueue_dma source(%dma_start3A_23 : memref<80xi32, #tpu.memory_space<hbm>>) target(%arg6 : memref<80xi32, #tpu.memory_space<vmem>>) target_semaphore(%run_scoped3A : memref<!tpu.dma_semaphore, #tpu.memory_space<semaphore_mem>>)
        %dma_wait3A_24 = tpu.memref_slice %arg3[%add3A_11] : memref<320000xi32, #tpu.memory_space<hbm>> -> memref<80xi32, #tpu.memory_space<hbm>>
        %dma_wait3A_25 = tpu.memref_slice %arg3[%add3A_11] : memref<320000xi32, #tpu.memory_space<hbm>> -> memref<80xi32, #tpu.memory_space<hbm>>
        tpu.wait_dma2 semaphore(%run_scoped3A : memref<!tpu.dma_semaphore, #tpu.memory_space<semaphore_mem>>) src(%dma_wait3A_25 : memref<80xi32, #tpu.memory_space<hbm>>) dst(%arg6 : memref<80xi32, #tpu.memory_space<vmem>>)
        tpu.yield
      }) : () -> ()
      "tpu.region"() ({
        %run_scoped3A = tpu.sem_alloc : memref<!tpu.dma_semaphore, #tpu.memory_space<semaphore_mem>>
        %dma_start3A_22 = arith.constant 0 : i32
        %dma_start3A_23 = tpu.memref_slice %arg2[%add3A_11, %dma_start3A_22] : memref<320000x16xf32, #tpu.memory_space<hbm>> -> memref<80x16xf32, #tpu.memory_space<hbm>>
        %dma_start3A_24 = arith.constant 0 : i32
        %dma_start3A_25 = tpu.memref_slice %arg2[%add3A_11, %dma_start3A_24] : memref<320000x16xf32, #tpu.memory_space<hbm>> -> memref<80x16xf32, #tpu.memory_space<hbm>>
        tpu.enqueue_dma source(%dma_start3A_25 : memref<80x16xf32, #tpu.memory_space<hbm>>) target(%arg7 : memref<80x16xf32, #tpu.memory_space<vmem>>) target_semaphore(%run_scoped3A : memref<!tpu.dma_semaphore, #tpu.memory_space<semaphore_mem>>)
        %dma_wait3A_26 = arith.constant 0 : i32
        %dma_wait3A_27 = tpu.memref_slice %arg2[%add3A_11, %dma_wait3A_26] : memref<320000x16xf32, #tpu.memory_space<hbm>> -> memref<80x16xf32, #tpu.memory_space<hbm>>
        %dma_wait3A_28 = arith.constant 0 : i32
        %dma_wait3A_29 = tpu.memref_slice %arg2[%add3A_11, %dma_wait3A_28] : memref<320000x16xf32, #tpu.memory_space<hbm>> -> memref<80x16xf32, #tpu.memory_space<hbm>>
        tpu.wait_dma2 semaphore(%run_scoped3A : memref<!tpu.dma_semaphore, #tpu.memory_space<semaphore_mem>>) src(%dma_wait3A_29 : memref<80x16xf32, #tpu.memory_space<hbm>>) dst(%arg7 : memref<80x16xf32, #tpu.memory_space<vmem>>)
        tpu.yield
      }) : () -> ()
      %dma_start3A = arith.constant 0 : i32
      %dma_start3A_12 = arith.constant 0 : i32
      %dma_start3A_13 = tpu.memref_slice %arg4[%dma_start3A, %dma_start3A_12] : memref<10240x128xf32, #tpu.memory_space<hbm>> -> memref<10240x128xf32, #tpu.memory_space<hbm>>
      tpu.enqueue_indirect_dma source(%dma_start3A_13 : memref<10240x128xf32, #tpu.memory_space<hbm>>) target(%arg8 : memref<80x128xf32, #tpu.memory_space<vmem>>) offsets(%arg6 : memref<80xi32, #tpu.memory_space<vmem>>) semaphore(%arg9 : memref<!tpu.dma_semaphore, #tpu.memory_space<semaphore_mem>>)
      %dma_wait3A = arith.constant 0 : i32
      %dma_wait3A_14 = arith.constant 0 : i32
      %dma_wait3A_15 = tpu.memref_slice %arg4[%dma_wait3A, %dma_wait3A_14] : memref<10240x128xf32, #tpu.memory_space<hbm>> -> memref<10240x128xf32, #tpu.memory_space<hbm>>
      tpu.wait_indirect_dma semaphore(%arg9 : memref<!tpu.dma_semaphore, #tpu.memory_space<semaphore_mem>>) src(%dma_wait3A_15 : memref<10240x128xf32, #tpu.memory_space<hbm>>) dst(%arg8 : memref<80x128xf32, #tpu.memory_space<vmem>>)
      %scan3A_16 = arith.constant 0 : i32
      %scan3A_17 = arith.constant 0 : i32
      %scan3A_18 = arith.constant 80 : i32
      %scan3A_19 = arith.addi %scan3A_17, %scan3A_18 : i32
      %scan3A_20 = arith.constant 1 : i32
      scf.for %scan3A_22 = %scan3A_17 to %scan3A_19 step %scan3A_20  : i32 {
        %get3A = arith.index_cast %scan3A_22 : i32 to index
        %get3A_23 = arith.constant 0 : index
        %get3A_24 = tpu.vector_load %arg7[%get3A, %get3A_23] {strides = array<i32>} : memref<80x16xf32, #tpu.memory_space<vmem>>, vector<1x16xf32>,
        %get3A_25 = vector.shape_cast %get3A_24 : vector<1x16xf32> to vector<16xf32>
        %get3A_26 = arith.index_cast %scan3A_22 : i32 to index
        %get3A_27 = arith.constant 0 : index
        %get3A_28 = tpu.vector_load %arg8[%get3A_26, %get3A_27] {strides = array<i32>} : memref<80x128xf32, #tpu.memory_space<vmem>>, vector<1x16xf32>,
        %get3A_29 = vector.shape_cast %get3A_28 : vector<1x16xf32> to vector<16xf32>
        %mul3A_30 = arith.mulf %get3A_25, %get3A_29 : vector<16xf32>
        %swap3A = arith.index_cast %scan3A_22 : i32 to index
        %swap3A_31 = arith.constant 0 : index
        %swap3A_32 = tpu.vector_load %arg7[%swap3A, %swap3A_31] {strides = array<i32>} : memref<80x16xf32, #tpu.memory_space<vmem>>, vector<1x16xf32>,
        %swap3A_33 = vector.shape_cast %swap3A_32 : vector<1x16xf32> to vector<16xf32>
        %swap3A_34 = vector.shape_cast %mul3A_30 : vector<16xf32> to vector<1x16xf32>
        tpu.vector_store %arg7[%swap3A, %swap3A_31], %swap3A_34 {strides = array<i32>} : memref<80x16xf32, #tpu.memory_space<vmem>>, vector<1x16xf32>,
      }
      %scan3A_21 = arith.constant 80 : i32
      "tpu.region"() ({
        %run_scoped3A = tpu.sem_alloc : memref<!tpu.dma_semaphore, #tpu.memory_space<semaphore_mem>>
        %dma_start3A_22 = arith.constant 0 : i32
        %dma_start3A_23 = tpu.memref_slice %arg5[%add3A_11, %dma_start3A_22] : memref<320000x16xf32, #tpu.memory_space<hbm>> -> memref<80x16xf32, #tpu.memory_space<hbm>>
        %dma_start3A_24 = arith.constant 0 : i32
        %dma_start3A_25 = tpu.memref_slice %arg5[%add3A_11, %dma_start3A_24] : memref<320000x16xf32, #tpu.memory_space<hbm>> -> memref<80x16xf32, #tpu.memory_space<hbm>>
        tpu.enqueue_dma source(%arg7 : memref<80x16xf32, #tpu.memory_space<vmem>>) target(%dma_start3A_25 : memref<80x16xf32, #tpu.memory_space<hbm>>) target_semaphore(%run_scoped3A : memref<!tpu.dma_semaphore, #tpu.memory_space<semaphore_mem>>)
        %dma_wait3A_26 = arith.constant 0 : i32
        %dma_wait3A_27 = tpu.memref_slice %arg5[%add3A_11, %dma_wait3A_26] : memref<320000x16xf32, #tpu.memory_space<hbm>> -> memref<80x16xf32, #tpu.memory_space<hbm>>
        %dma_wait3A_28 = arith.constant 0 : i32
        %dma_wait3A_29 = tpu.memref_slice %arg5[%add3A_11, %dma_wait3A_28] : memref<320000x16xf32, #tpu.memory_space<hbm>> -> memref<80x16xf32, #tpu.memory_space<hbm>>
        tpu.wait_dma2 semaphore(%run_scoped3A : memref<!tpu.dma_semaphore, #tpu.memory_space<semaphore_mem>>) src(%arg7 : memref<80x16xf32, #tpu.memory_space<vmem>>) dst(%dma_wait3A_29 : memref<80x16xf32, #tpu.memory_space<hbm>>)
        tpu.yield
      }) : () -> ()
    }
    %scan3A_5 = arith.constant 125 : i32
    return
  }
}

#map = affine_map<(d0, d1) -> (0, 0)>
#map1 = affine_map<(d0, d1) -> (0)>
#map2 = affine_map<(d0, d1) -> (0, 0, 0)>
module attributes {stable_mosaic.version = 14 : i64} {
  func.func @_scatter_body(%arg0: i32, %arg1: i32, %arg2: memref<320000x16xf32, #tpu.memory_space<hbm>>, %arg3: memref<320000xi32, #tpu.memory_space<hbm>>, %arg4: memref<10240x16xf32, #tpu.memory_space<hbm>>, %arg5: memref<2x10240x16xf32, #tpu.memory_space<hbm>>, %arg6: memref<80xi32, #tpu.memory_space<vmem>>, %arg7: memref<80x16xf32, #tpu.memory_space<vmem>>, %arg8: memref<10240x16xf32, #tpu.memory_space<vmem_shared>>, %arg9: memref<!tpu.dma_semaphore, #tpu.memory_space<semaphore_mem>>) attributes {dimension_semantics = [#tpu.dimension_semantics<core_parallel>, #tpu.dimension_semantics<subcore_parallel>], iteration_bounds = array<i64: 2, 16>, scalar_prefetch = 0 : i64, scratch_operands = 4 : i64, tpu.core_type = #tpu.core_type<sc_vector_subcore>, window_params = [{transform_indices = #map}, {transform_indices = #map1}, {transform_indices = #map}, {transform_indices = #map2}]} {
    %mul3A = arith.constant 2 : i32
    %mul3A_0 = arith.muli %arg1, %mul3A : i32
    %add3A = arith.addi %mul3A_0, %arg0 : i32
    %mul3A_1 = arith.constant 640 : i32
    %mul3A_2 = arith.muli %arg1, %mul3A_1 : i32
    %mul3A_3 = arith.constant 640 : i32
    %mul3A_4 = arith.muli %arg1, %mul3A_3 : i32
    "tpu.region"() ({
      %run_scoped3A = tpu.sem_alloc : memref<!tpu.dma_semaphore, #tpu.memory_space<semaphore_mem>>
      %dma_start3A = arith.constant 0 : i32
      %dma_start3A_15 = tpu.memref_slice %arg8[%mul3A_4, %dma_start3A] : memref<10240x16xf32, #tpu.memory_space<vmem_shared>> -> memref<640x16xf32, #tpu.memory_space<vmem_shared>>
      %dma_start3A_16 = arith.constant 0 : i32
      %dma_start3A_17 = tpu.memref_slice %arg4[%mul3A_2, %dma_start3A_16] : memref<10240x16xf32, #tpu.memory_space<hbm>> -> memref<640x16xf32, #tpu.memory_space<hbm>>
      tpu.enqueue_dma source(%dma_start3A_17 : memref<640x16xf32, #tpu.memory_space<hbm>>) target(%dma_start3A_15 : memref<640x16xf32, #tpu.memory_space<vmem_shared>>) target_semaphore(%run_scoped3A : memref<!tpu.dma_semaphore, #tpu.memory_space<semaphore_mem>>)
      %dma_wait3A = arith.constant 0 : i32
      %dma_wait3A_18 = tpu.memref_slice %arg8[%mul3A_4, %dma_wait3A] : memref<10240x16xf32, #tpu.memory_space<vmem_shared>> -> memref<640x16xf32, #tpu.memory_space<vmem_shared>>
      %dma_wait3A_19 = arith.constant 0 : i32
      %dma_wait3A_20 = tpu.memref_slice %arg4[%mul3A_2, %dma_wait3A_19] : memref<10240x16xf32, #tpu.memory_space<hbm>> -> memref<640x16xf32, #tpu.memory_space<hbm>>
      tpu.wait_dma2 semaphore(%run_scoped3A : memref<!tpu.dma_semaphore, #tpu.memory_space<semaphore_mem>>) src(%dma_wait3A_20 : memref<640x16xf32, #tpu.memory_space<hbm>>) dst(%dma_wait3A_18 : memref<640x16xf32, #tpu.memory_space<vmem_shared>>)
      tpu.yield
    }) : () -> ()
    %barrier3A = arith.constant 0 : index
    tpu.barrier barrier_id(%barrier3A)
    %scan3A = arith.constant 0 : i32
    %scan3A_5 = arith.constant 0 : i32
    %scan3A_6 = arith.constant 125 : i32
    %scan3A_7 = arith.addi %scan3A_5, %scan3A_6 : i32
    %scan3A_8 = arith.constant 1 : i32
    scf.for %scan3A_15 = %scan3A_5 to %scan3A_7 step %scan3A_8  : i32 {
      %mul3A_16 = arith.constant 10000 : i32
      %mul3A_17 = arith.muli %add3A, %mul3A_16 : i32
      %mul3A_18 = arith.constant 80 : i32
      %mul3A_19 = arith.muli %scan3A_15, %mul3A_18 : i32
      %add3A_20 = arith.addi %mul3A_17, %mul3A_19 : i32
      "tpu.region"() ({
        %run_scoped3A = tpu.sem_alloc : memref<!tpu.dma_semaphore, #tpu.memory_space<semaphore_mem>>
        %dma_start3A = tpu.memref_slice %arg3[%add3A_20] : memref<320000xi32, #tpu.memory_space<hbm>> -> memref<80xi32, #tpu.memory_space<hbm>>
        %dma_start3A_21 = tpu.memref_slice %arg3[%add3A_20] : memref<320000xi32, #tpu.memory_space<hbm>> -> memref<80xi32, #tpu.memory_space<hbm>>
        tpu.enqueue_dma source(%dma_start3A_21 : memref<80xi32, #tpu.memory_space<hbm>>) target(%arg6 : memref<80xi32, #tpu.memory_space<vmem>>) target_semaphore(%run_scoped3A : memref<!tpu.dma_semaphore, #tpu.memory_space<semaphore_mem>>)
        %dma_wait3A = tpu.memref_slice %arg3[%add3A_20] : memref<320000xi32, #tpu.memory_space<hbm>> -> memref<80xi32, #tpu.memory_space<hbm>>
        %dma_wait3A_22 = tpu.memref_slice %arg3[%add3A_20] : memref<320000xi32, #tpu.memory_space<hbm>> -> memref<80xi32, #tpu.memory_space<hbm>>
        tpu.wait_dma2 semaphore(%run_scoped3A : memref<!tpu.dma_semaphore, #tpu.memory_space<semaphore_mem>>) src(%dma_wait3A_22 : memref<80xi32, #tpu.memory_space<hbm>>) dst(%arg6 : memref<80xi32, #tpu.memory_space<vmem>>)
        tpu.yield
      }) : () -> ()
      "tpu.region"() ({
        %run_scoped3A = tpu.sem_alloc : memref<!tpu.dma_semaphore, #tpu.memory_space<semaphore_mem>>
        %dma_start3A = arith.constant 0 : i32
        %dma_start3A_21 = tpu.memref_slice %arg2[%add3A_20, %dma_start3A] : memref<320000x16xf32, #tpu.memory_space<hbm>> -> memref<80x16xf32, #tpu.memory_space<hbm>>
        %dma_start3A_22 = arith.constant 0 : i32
        %dma_start3A_23 = tpu.memref_slice %arg2[%add3A_20, %dma_start3A_22] : memref<320000x16xf32, #tpu.memory_space<hbm>> -> memref<80x16xf32, #tpu.memory_space<hbm>>
        tpu.enqueue_dma source(%dma_start3A_23 : memref<80x16xf32, #tpu.memory_space<hbm>>) target(%arg7 : memref<80x16xf32, #tpu.memory_space<vmem>>) target_semaphore(%run_scoped3A : memref<!tpu.dma_semaphore, #tpu.memory_space<semaphore_mem>>)
        %dma_wait3A = arith.constant 0 : i32
        %dma_wait3A_24 = tpu.memref_slice %arg2[%add3A_20, %dma_wait3A] : memref<320000x16xf32, #tpu.memory_space<hbm>> -> memref<80x16xf32, #tpu.memory_space<hbm>>
        %dma_wait3A_25 = arith.constant 0 : i32
        %dma_wait3A_26 = tpu.memref_slice %arg2[%add3A_20, %dma_wait3A_25] : memref<320000x16xf32, #tpu.memory_space<hbm>> -> memref<80x16xf32, #tpu.memory_space<hbm>>
        tpu.wait_dma2 semaphore(%run_scoped3A : memref<!tpu.dma_semaphore, #tpu.memory_space<semaphore_mem>>) src(%dma_wait3A_26 : memref<80x16xf32, #tpu.memory_space<hbm>>) dst(%arg7 : memref<80x16xf32, #tpu.memory_space<vmem>>)
        tpu.yield
      }) : () -> ()
      "tpu.region"() ({
        %run_scoped3A = tpu.sem_alloc : memref<!tpu.dma_semaphore, #tpu.memory_space<semaphore_mem>>
        %dma_start3A = arith.constant 0 : i32
        %dma_start3A_21 = arith.constant 0 : i32
        %dma_start3A_22 = tpu.memref_slice %arg8[%dma_start3A, %dma_start3A_21] : memref<10240x16xf32, #tpu.memory_space<vmem_shared>> -> memref<10240x16xf32, #tpu.memory_space<vmem_shared>>
        tpu.enqueue_indirect_dma source(%arg7 : memref<80x16xf32, #tpu.memory_space<vmem>>) target(%dma_start3A_22 : memref<10240x16xf32, #tpu.memory_space<vmem_shared>>) offsets(%arg6 : memref<80xi32, #tpu.memory_space<vmem>>) semaphore(%run_scoped3A : memref<!tpu.dma_semaphore, #tpu.memory_space<semaphore_mem>>) {add = true}
        %dma_wait3A = arith.constant 0 : i32
        %dma_wait3A_23 = arith.constant 0 : i32
        %dma_wait3A_24 = tpu.memref_slice %arg8[%dma_wait3A, %dma_wait3A_23] : memref<10240x16xf32, #tpu.memory_space<vmem_shared>> -> memref<10240x16xf32, #tpu.memory_space<vmem_shared>>
        tpu.wait_indirect_dma semaphore(%run_scoped3A : memref<!tpu.dma_semaphore, #tpu.memory_space<semaphore_mem>>) src(%arg7 : memref<80x16xf32, #tpu.memory_space<vmem>>) dst(%dma_wait3A_24 : memref<10240x16xf32, #tpu.memory_space<vmem_shared>>)
        tpu.yield
      }) : () -> ()
    }
    %scan3A_9 = arith.constant 125 : i32
    %barrier3A_10 = arith.constant 0 : index
    tpu.barrier barrier_id(%barrier3A_10)
    %mul3A_11 = arith.constant 640 : i32
    %mul3A_12 = arith.muli %arg1, %mul3A_11 : i32
    %mul3A_13 = arith.constant 640 : i32
    %mul3A_14 = arith.muli %arg1, %mul3A_13 : i32
    "tpu.region"() ({
      %run_scoped3A = tpu.sem_alloc : memref<!tpu.dma_semaphore, #tpu.memory_space<semaphore_mem>>
      %dma_start3A = arith.constant 0 : i32
      %dma_start3A_15 = tpu.memref_slice %arg5[%arg0, %mul3A_14, %dma_start3A] : memref<2x10240x16xf32, #tpu.memory_space<hbm>> -> memref<1x640x16xf32, #tpu.memory_space<hbm>>
      %dma_start3A_16 = tpu.memref_squeeze %dma_start3A_15 : memref<1x640x16xf32, #tpu.memory_space<hbm>> -> memref<640x16xf32, #tpu.memory_space<hbm>>
      %dma_start3A_17 = arith.constant 0 : i32
      %dma_start3A_18 = tpu.memref_slice %arg8[%mul3A_12, %dma_start3A_17] : memref<10240x16xf32, #tpu.memory_space<vmem_shared>> -> memref<640x16xf32, #tpu.memory_space<vmem_shared>>
      tpu.enqueue_dma source(%dma_start3A_18 : memref<640x16xf32, #tpu.memory_space<vmem_shared>>) target(%dma_start3A_16 : memref<640x16xf32, #tpu.memory_space<hbm>>) target_semaphore(%run_scoped3A : memref<!tpu.dma_semaphore, #tpu.memory_space<semaphore_mem>>)
      %dma_wait3A = arith.constant 0 : i32
      %dma_wait3A_19 = tpu.memref_slice %arg5[%arg0, %mul3A_14, %dma_wait3A] : memref<2x10240x16xf32, #tpu.memory_space<hbm>> -> memref<1x640x16xf32, #tpu.memory_space<hbm>>
      %dma_wait3A_20 = tpu.memref_squeeze %dma_wait3A_19 : memref<1x640x16xf32, #tpu.memory_space<hbm>> -> memref<640x16xf32, #tpu.memory_space<hbm>>
      %dma_wait3A_21 = arith.constant 0 : i32
      %dma_wait3A_22 = tpu.memref_slice %arg8[%mul3A_12, %dma_wait3A_21] : memref<10240x16xf32, #tpu.memory_space<vmem_shared>> -> memref<640x16xf32, #tpu.memory_space<vmem_shared>>
      tpu.wait_dma2 semaphore(%run_scoped3A : memref<!tpu.dma_semaphore, #tpu.memory_space<semaphore_mem>>) src(%dma_wait3A_22 : memref<640x16xf32, #tpu.memory_space<vmem_shared>>) dst(%dma_wait3A_20 : memref<640x16xf32, #tpu.memory_space<hbm>>)
      tpu.yield
    }) : () -> ()
    return
  }
}

#map = affine_map<(d0, d1) -> (0, 0)>
#map1 = affine_map<(d0, d1) -> (0)>
module attributes {stable_mosaic.version = 14 : i64} {
  func.func @_gather3_body(%arg0: i32, %arg1: i32, %arg2: memref<10000x128xf32, #tpu.memory_space<hbm>>, %arg3: memref<10000x128xf32, #tpu.memory_space<hbm>>, %arg4: memref<10000x128xf32, #tpu.memory_space<hbm>>, %arg5: memref<320000xi32, #tpu.memory_space<hbm>>, %arg6: memref<320000xi32, #tpu.memory_space<hbm>>, %arg7: memref<320000x128xf32, #tpu.memory_space<hbm>>, %arg8: memref<320000x128xf32, #tpu.memory_space<hbm>>, %arg9: memref<320000x128xf32, #tpu.memory_space<hbm>>, %arg10: memref<80xi32, #tpu.memory_space<vmem>>, %arg11: memref<80xi32, #tpu.memory_space<vmem>>, %arg12: memref<80x128xf32, #tpu.memory_space<vmem>>, %arg13: memref<80x128xf32, #tpu.memory_space<vmem>>, %arg14: memref<80x128xf32, #tpu.memory_space<vmem>>, %arg15: memref<!tpu.dma_semaphore, #tpu.memory_space<semaphore_mem>>) attributes {dimension_semantics = [#tpu.dimension_semantics<core_parallel>, #tpu.dimension_semantics<subcore_parallel>], iteration_bounds = array<i64: 2, 16>, scalar_prefetch = 0 : i64, scratch_operands = 6 : i64, tpu.core_type = #tpu.core_type<sc_vector_subcore>, window_params = [{transform_indices = #map}, {transform_indices = #map}, {transform_indices = #map}, {transform_indices = #map1}, {transform_indices = #map1}, {transform_indices = #map}, {transform_indices = #map}, {transform_indices = #map}]} {
    %mul3A = arith.constant 2 : i32
    %mul3A_0 = arith.muli %arg1, %mul3A : i32
    %add3A = arith.addi %mul3A_0, %arg0 : i32
    %scan3A = arith.constant 0 : i32
    %scan3A_1 = arith.constant 0 : i32
    %scan3A_2 = arith.constant 125 : i32
    %scan3A_3 = arith.addi %scan3A_1, %scan3A_2 : i32
    %scan3A_4 = arith.constant 1 : i32
    scf.for %scan3A_6 = %scan3A_1 to %scan3A_3 step %scan3A_4  : i32 {
      %mul3A_7 = arith.constant 10000 : i32
      %mul3A_8 = arith.muli %add3A, %mul3A_7 : i32
      %mul3A_9 = arith.constant 80 : i32
      %mul3A_10 = arith.muli %scan3A_6, %mul3A_9 : i32
      %add3A_11 = arith.addi %mul3A_8, %mul3A_10 : i32
      "tpu.region"() ({
        %run_scoped3A = tpu.sem_alloc : memref<!tpu.dma_semaphore, #tpu.memory_space<semaphore_mem>>
        %dma_start3A_28 = tpu.memref_slice %arg5[%add3A_11] : memref<320000xi32, #tpu.memory_space<hbm>> -> memref<80xi32, #tpu.memory_space<hbm>>
        %dma_start3A_29 = tpu.memref_slice %arg5[%add3A_11] : memref<320000xi32, #tpu.memory_space<hbm>> -> memref<80xi32, #tpu.memory_space<hbm>>
        tpu.enqueue_dma source(%dma_start3A_29 : memref<80xi32, #tpu.memory_space<hbm>>) target(%arg10 : memref<80xi32, #tpu.memory_space<vmem>>) target_semaphore(%run_scoped3A : memref<!tpu.dma_semaphore, #tpu.memory_space<semaphore_mem>>)
        %dma_wait3A_30 = tpu.memref_slice %arg5[%add3A_11] : memref<320000xi32, #tpu.memory_space<hbm>> -> memref<80xi32, #tpu.memory_space<hbm>>
        %dma_wait3A_31 = tpu.memref_slice %arg5[%add3A_11] : memref<320000xi32, #tpu.memory_space<hbm>> -> memref<80xi32, #tpu.memory_space<hbm>>
        tpu.wait_dma2 semaphore(%run_scoped3A : memref<!tpu.dma_semaphore, #tpu.memory_space<semaphore_mem>>) src(%dma_wait3A_31 : memref<80xi32, #tpu.memory_space<hbm>>) dst(%arg10 : memref<80xi32, #tpu.memory_space<vmem>>)
        tpu.yield
      }) : () -> ()
      "tpu.region"() ({
        %run_scoped3A = tpu.sem_alloc : memref<!tpu.dma_semaphore, #tpu.memory_space<semaphore_mem>>
        %dma_start3A_28 = tpu.memref_slice %arg6[%add3A_11] : memref<320000xi32, #tpu.memory_space<hbm>> -> memref<80xi32, #tpu.memory_space<hbm>>
        %dma_start3A_29 = tpu.memref_slice %arg6[%add3A_11] : memref<320000xi32, #tpu.memory_space<hbm>> -> memref<80xi32, #tpu.memory_space<hbm>>
        tpu.enqueue_dma source(%dma_start3A_29 : memref<80xi32, #tpu.memory_space<hbm>>) target(%arg11 : memref<80xi32, #tpu.memory_space<vmem>>) target_semaphore(%run_scoped3A : memref<!tpu.dma_semaphore, #tpu.memory_space<semaphore_mem>>)
        %dma_wait3A_30 = tpu.memref_slice %arg6[%add3A_11] : memref<320000xi32, #tpu.memory_space<hbm>> -> memref<80xi32, #tpu.memory_space<hbm>>
        %dma_wait3A_31 = tpu.memref_slice %arg6[%add3A_11] : memref<320000xi32, #tpu.memory_space<hbm>> -> memref<80xi32, #tpu.memory_space<hbm>>
        tpu.wait_dma2 semaphore(%run_scoped3A : memref<!tpu.dma_semaphore, #tpu.memory_space<semaphore_mem>>) src(%dma_wait3A_31 : memref<80xi32, #tpu.memory_space<hbm>>) dst(%arg11 : memref<80xi32, #tpu.memory_space<vmem>>)
        tpu.yield
      }) : () -> ()
      %dma_start3A = arith.constant 0 : i32
      %dma_start3A_12 = arith.constant 0 : i32
      %dma_start3A_13 = tpu.memref_slice %arg2[%dma_start3A, %dma_start3A_12] : memref<10000x128xf32, #tpu.memory_space<hbm>> -> memref<10000x128xf32, #tpu.memory_space<hbm>>
      tpu.enqueue_indirect_dma source(%dma_start3A_13 : memref<10000x128xf32, #tpu.memory_space<hbm>>) target(%arg12 : memref<80x128xf32, #tpu.memory_space<vmem>>) offsets(%arg10 : memref<80xi32, #tpu.memory_space<vmem>>) semaphore(%arg15 : memref<!tpu.dma_semaphore, #tpu.memory_space<semaphore_mem>>)
      %dma_start3A_14 = arith.constant 0 : i32
      %dma_start3A_15 = arith.constant 0 : i32
      %dma_start3A_16 = tpu.memref_slice %arg3[%dma_start3A_14, %dma_start3A_15] : memref<10000x128xf32, #tpu.memory_space<hbm>> -> memref<10000x128xf32, #tpu.memory_space<hbm>>
      tpu.enqueue_indirect_dma source(%dma_start3A_16 : memref<10000x128xf32, #tpu.memory_space<hbm>>) target(%arg13 : memref<80x128xf32, #tpu.memory_space<vmem>>) offsets(%arg11 : memref<80xi32, #tpu.memory_space<vmem>>) semaphore(%arg15 : memref<!tpu.dma_semaphore, #tpu.memory_space<semaphore_mem>>)
      %dma_start3A_17 = arith.constant 0 : i32
      %dma_start3A_18 = arith.constant 0 : i32
      %dma_start3A_19 = tpu.memref_slice %arg4[%dma_start3A_17, %dma_start3A_18] : memref<10000x128xf32, #tpu.memory_space<hbm>> -> memref<10000x128xf32, #tpu.memory_space<hbm>>
      tpu.enqueue_indirect_dma source(%dma_start3A_19 : memref<10000x128xf32, #tpu.memory_space<hbm>>) target(%arg14 : memref<80x128xf32, #tpu.memory_space<vmem>>) offsets(%arg11 : memref<80xi32, #tpu.memory_space<vmem>>) semaphore(%arg15 : memref<!tpu.dma_semaphore, #tpu.memory_space<semaphore_mem>>)
      %dma_wait3A = arith.constant 0 : i32
      %dma_wait3A_20 = arith.constant 0 : i32
      %dma_wait3A_21 = tpu.memref_slice %arg2[%dma_wait3A, %dma_wait3A_20] : memref<10000x128xf32, #tpu.memory_space<hbm>> -> memref<10000x128xf32, #tpu.memory_space<hbm>>
      tpu.wait_indirect_dma semaphore(%arg15 : memref<!tpu.dma_semaphore, #tpu.memory_space<semaphore_mem>>) src(%dma_wait3A_21 : memref<10000x128xf32, #tpu.memory_space<hbm>>) dst(%arg12 : memref<80x128xf32, #tpu.memory_space<vmem>>)
      %dma_wait3A_22 = arith.constant 0 : i32
      %dma_wait3A_23 = arith.constant 0 : i32
      %dma_wait3A_24 = tpu.memref_slice %arg3[%dma_wait3A_22, %dma_wait3A_23] : memref<10000x128xf32, #tpu.memory_space<hbm>> -> memref<10000x128xf32, #tpu.memory_space<hbm>>
      tpu.wait_indirect_dma semaphore(%arg15 : memref<!tpu.dma_semaphore, #tpu.memory_space<semaphore_mem>>) src(%dma_wait3A_24 : memref<10000x128xf32, #tpu.memory_space<hbm>>) dst(%arg13 : memref<80x128xf32, #tpu.memory_space<vmem>>)
      %dma_wait3A_25 = arith.constant 0 : i32
      %dma_wait3A_26 = arith.constant 0 : i32
      %dma_wait3A_27 = tpu.memref_slice %arg4[%dma_wait3A_25, %dma_wait3A_26] : memref<10000x128xf32, #tpu.memory_space<hbm>> -> memref<10000x128xf32, #tpu.memory_space<hbm>>
      tpu.wait_indirect_dma semaphore(%arg15 : memref<!tpu.dma_semaphore, #tpu.memory_space<semaphore_mem>>) src(%dma_wait3A_27 : memref<10000x128xf32, #tpu.memory_space<hbm>>) dst(%arg14 : memref<80x128xf32, #tpu.memory_space<vmem>>)
      "tpu.region"() ({
        %run_scoped3A = tpu.sem_alloc : memref<!tpu.dma_semaphore, #tpu.memory_space<semaphore_mem>>
        %dma_start3A_28 = arith.constant 0 : i32
        %dma_start3A_29 = tpu.memref_slice %arg7[%add3A_11, %dma_start3A_28] : memref<320000x128xf32, #tpu.memory_space<hbm>> -> memref<80x128xf32, #tpu.memory_space<hbm>>
        %dma_start3A_30 = arith.constant 0 : i32
        %dma_start3A_31 = tpu.memref_slice %arg7[%add3A_11, %dma_start3A_30] : memref<320000x128xf32, #tpu.memory_space<hbm>> -> memref<80x128xf32, #tpu.memory_space<hbm>>
        tpu.enqueue_dma source(%arg12 : memref<80x128xf32, #tpu.memory_space<vmem>>) target(%dma_start3A_31 : memref<80x128xf32, #tpu.memory_space<hbm>>) target_semaphore(%run_scoped3A : memref<!tpu.dma_semaphore, #tpu.memory_space<semaphore_mem>>)
        %dma_wait3A_32 = arith.constant 0 : i32
        %dma_wait3A_33 = tpu.memref_slice %arg7[%add3A_11, %dma_wait3A_32] : memref<320000x128xf32, #tpu.memory_space<hbm>> -> memref<80x128xf32, #tpu.memory_space<hbm>>
        %dma_wait3A_34 = arith.constant 0 : i32
        %dma_wait3A_35 = tpu.memref_slice %arg7[%add3A_11, %dma_wait3A_34] : memref<320000x128xf32, #tpu.memory_space<hbm>> -> memref<80x128xf32, #tpu.memory_space<hbm>>
        tpu.wait_dma2 semaphore(%run_scoped3A : memref<!tpu.dma_semaphore, #tpu.memory_space<semaphore_mem>>) src(%arg12 : memref<80x128xf32, #tpu.memory_space<vmem>>) dst(%dma_wait3A_35 : memref<80x128xf32, #tpu.memory_space<hbm>>)
        tpu.yield
      }) : () -> ()
      "tpu.region"() ({
        %run_scoped3A = tpu.sem_alloc : memref<!tpu.dma_semaphore, #tpu.memory_space<semaphore_mem>>
        %dma_start3A_28 = arith.constant 0 : i32
        %dma_start3A_29 = tpu.memref_slice %arg8[%add3A_11, %dma_start3A_28] : memref<320000x128xf32, #tpu.memory_space<hbm>> -> memref<80x128xf32, #tpu.memory_space<hbm>>
        %dma_start3A_30 = arith.constant 0 : i32
        %dma_start3A_31 = tpu.memref_slice %arg8[%add3A_11, %dma_start3A_30] : memref<320000x128xf32, #tpu.memory_space<hbm>> -> memref<80x128xf32, #tpu.memory_space<hbm>>
        tpu.enqueue_dma source(%arg13 : memref<80x128xf32, #tpu.memory_space<vmem>>) target(%dma_start3A_31 : memref<80x128xf32, #tpu.memory_space<hbm>>) target_semaphore(%run_scoped3A : memref<!tpu.dma_semaphore, #tpu.memory_space<semaphore_mem>>)
        %dma_wait3A_32 = arith.constant 0 : i32
        %dma_wait3A_33 = tpu.memref_slice %arg8[%add3A_11, %dma_wait3A_32] : memref<320000x128xf32, #tpu.memory_space<hbm>> -> memref<80x128xf32, #tpu.memory_space<hbm>>
        %dma_wait3A_34 = arith.constant 0 : i32
        %dma_wait3A_35 = tpu.memref_slice %arg8[%add3A_11, %dma_wait3A_34] : memref<320000x128xf32, #tpu.memory_space<hbm>> -> memref<80x128xf32, #tpu.memory_space<hbm>>
        tpu.wait_dma2 semaphore(%run_scoped3A : memref<!tpu.dma_semaphore, #tpu.memory_space<semaphore_mem>>) src(%arg13 : memref<80x128xf32, #tpu.memory_space<vmem>>) dst(%dma_wait3A_35 : memref<80x128xf32, #tpu.memory_space<hbm>>)
        tpu.yield
      }) : () -> ()
      "tpu.region"() ({
        %run_scoped3A = tpu.sem_alloc : memref<!tpu.dma_semaphore, #tpu.memory_space<semaphore_mem>>
        %dma_start3A_28 = arith.constant 0 : i32
        %dma_start3A_29 = tpu.memref_slice %arg9[%add3A_11, %dma_start3A_28] : memref<320000x128xf32, #tpu.memory_space<hbm>> -> memref<80x128xf32, #tpu.memory_space<hbm>>
        %dma_start3A_30 = arith.constant 0 : i32
        %dma_start3A_31 = tpu.memref_slice %arg9[%add3A_11, %dma_start3A_30] : memref<320000x128xf32, #tpu.memory_space<hbm>> -> memref<80x128xf32, #tpu.memory_space<hbm>>
        tpu.enqueue_dma source(%arg14 : memref<80x128xf32, #tpu.memory_space<vmem>>) target(%dma_start3A_31 : memref<80x128xf32, #tpu.memory_space<hbm>>) target_semaphore(%run_scoped3A : memref<!tpu.dma_semaphore, #tpu.memory_space<semaphore_mem>>)
        %dma_wait3A_32 = arith.constant 0 : i32
        %dma_wait3A_33 = tpu.memref_slice %arg9[%add3A_11, %dma_wait3A_32] : memref<320000x128xf32, #tpu.memory_space<hbm>> -> memref<80x128xf32, #tpu.memory_space<hbm>>
        %dma_wait3A_34 = arith.constant 0 : i32
        %dma_wait3A_35 = tpu.memref_slice %arg9[%add3A_11, %dma_wait3A_34] : memref<320000x128xf32, #tpu.memory_space<hbm>> -> memref<80x128xf32, #tpu.memory_space<hbm>>
        tpu.wait_dma2 semaphore(%run_scoped3A : memref<!tpu.dma_semaphore, #tpu.memory_space<semaphore_mem>>) src(%arg14 : memref<80x128xf32, #tpu.memory_space<vmem>>) dst(%dma_wait3A_35 : memref<80x128xf32, #tpu.memory_space<hbm>>)
        tpu.yield
      }) : () -> ()
    }
    %scan3A_5 = arith.constant 125 : i32
    return
  }
}

module attributes {stable_mosaic.version = 14 : i64} {
  func.func @_proj_body(%arg0: i32, %arg1: memref<2000x128xf32, #tpu.memory_space<vmem>>, %arg2: memref<128x128xf32, #tpu.memory_space<vmem>>, %arg3: memref<128x128xf32, #tpu.memory_space<vmem>>, %arg4: memref<128x128xf32, #tpu.memory_space<vmem>>, %arg5: memref<128x128xf32, #tpu.memory_space<vmem>>, %arg6: memref<1x128xf32, #tpu.memory_space<vmem>>, %arg7: memref<1x128xf32, #tpu.memory_space<vmem>>, %arg8: memref<1x128xf32, #tpu.memory_space<vmem>>, %arg9: memref<1x128xf32, #tpu.memory_space<vmem>>, %arg10: memref<2000x128xf32, #tpu.memory_space<vmem>>, %arg11: memref<2000x128xf32, #tpu.memory_space<vmem>>, %arg12: memref<2000x128xf32, #tpu.memory_space<vmem>>) attributes {dimension_semantics = [#tpu.dimension_semantics<arbitrary>], iteration_bounds = array<i64: 5>, scalar_prefetch = 0 : i64, scratch_operands = 0 : i64, tpu.core_type = #tpu.core_type<tc>, window_params = [{transform_indices = @transform_0, window_bounds = array<i64: 2000, 128>}, {pipeline_mode = #tpu.pipeline_mode<synchronous>, transform_indices = @transform_1, window_bounds = array<i64: 128, 128>}, {pipeline_mode = #tpu.pipeline_mode<synchronous>, transform_indices = @transform_2, window_bounds = array<i64: 128, 128>}, {pipeline_mode = #tpu.pipeline_mode<synchronous>, transform_indices = @transform_3, window_bounds = array<i64: 128, 128>}, {pipeline_mode = #tpu.pipeline_mode<synchronous>, transform_indices = @transform_4, window_bounds = array<i64: 128, 128>}, {pipeline_mode = #tpu.pipeline_mode<synchronous>, transform_indices = @transform_5, window_bounds = array<i64: 1, 128>}, {pipeline_mode = #tpu.pipeline_mode<synchronous>, transform_indices = @transform_6, window_bounds = array<i64: 1, 128>}, {pipeline_mode = #tpu.pipeline_mode<synchronous>, transform_indices = @transform_7, window_bounds = array<i64: 1, 128>}, {pipeline_mode = #tpu.pipeline_mode<synchronous>, transform_indices = @transform_8, window_bounds = array<i64: 1, 128>}, {transform_indices = @transform_9, window_bounds = array<i64: 2000, 128>}, {transform_indices = @transform_10, window_bounds = array<i64: 2000, 128>}, {transform_indices = @transform_11, window_bounds = array<i64: 2000, 128>}]} {
    %get3A = arith.constant 0 : index
    %get3A_0 = arith.constant 0 : index
    %get3A_1 = vector.load %arg1[%get3A, %get3A_0] : memref<2000x128xf32, #tpu.memory_space<vmem>>, vector<2000x128xf32>
    %get3A_2 = arith.constant 0 : index
    %get3A_3 = arith.constant 0 : index
    %get3A_4 = vector.load %arg2[%get3A_2, %get3A_3] : memref<128x128xf32, #tpu.memory_space<vmem>>, vector<128x128xf32>
    %dot_general3A = arith.constant dense<0.000000e+00> : vector<2000x128xf32>
    %dot_general3A_5 = tpu.matmul %get3A_1, %get3A_4, %dot_general3A {dimension_numbers = #tpu.dot_dimension_numbers<[1], [0], [0], [1], [0, 0, 1, 1], [], []>, transpose_lhs_hint = false} : vector<2000x128xf32>, vector<128x128xf32>, vector<2000x128xf32> -> vector<2000x128xf32>
    %get3A_6 = arith.constant 0 : index
    %get3A_7 = arith.constant 0 : index
    %get3A_8 = vector.load %arg6[%get3A_6, %get3A_7] : memref<1x128xf32, #tpu.memory_space<vmem>>, vector<1x128xf32>
    %add3A = vector.broadcast %get3A_8 : vector<1x128xf32> to vector<2000x128xf32>
    %add3A_9 = arith.addf %dot_general3A_5, %add3A : vector<2000x128xf32>
    %swap3A = arith.constant 0 : index
    %swap3A_10 = arith.constant 0 : index
    %swap3A_11 = vector.load %arg10[%swap3A, %swap3A_10] : memref<2000x128xf32, #tpu.memory_space<vmem>>, vector<2000x128xf32>
    tpu.vector_store %arg10[%swap3A, %swap3A_10], %add3A_9 {strides = array<i32>} : memref<2000x128xf32, #tpu.memory_space<vmem>>, vector<2000x128xf32>,
    %get3A_12 = arith.constant 0 : index
    %get3A_13 = arith.constant 0 : index
    %get3A_14 = vector.load %arg3[%get3A_12, %get3A_13] : memref<128x128xf32, #tpu.memory_space<vmem>>, vector<128x128xf32>
    %dot_general3A_15 = arith.constant dense<0.000000e+00> : vector<2000x128xf32>
    %dot_general3A_16 = tpu.matmul %get3A_1, %get3A_14, %dot_general3A_15 {dimension_numbers = #tpu.dot_dimension_numbers<[1], [0], [0], [1], [0, 0, 1, 1], [], []>, transpose_lhs_hint = false} : vector<2000x128xf32>, vector<128x128xf32>, vector<2000x128xf32> -> vector<2000x128xf32>
    %get3A_17 = arith.constant 0 : index
    %get3A_18 = arith.constant 0 : index
    %get3A_19 = vector.load %arg7[%get3A_17, %get3A_18] : memref<1x128xf32, #tpu.memory_space<vmem>>, vector<1x128xf32>
    %add3A_20 = vector.broadcast %get3A_19 : vector<1x128xf32> to vector<2000x128xf32>
    %add3A_21 = arith.addf %dot_general3A_16, %add3A_20 : vector<2000x128xf32>
    %swap3A_22 = arith.constant 0 : index
    %swap3A_23 = arith.constant 0 : index
    %swap3A_24 = vector.load %arg11[%swap3A_22, %swap3A_23] : memref<2000x128xf32, #tpu.memory_space<vmem>>, vector<2000x128xf32>
    tpu.vector_store %arg11[%swap3A_22, %swap3A_23], %add3A_21 {strides = array<i32>} : memref<2000x128xf32, #tpu.memory_space<vmem>>, vector<2000x128xf32>,
    %get3A_25 = arith.constant 0 : index
    %get3A_26 = arith.constant 0 : index
    %get3A_27 = vector.load %arg4[%get3A_25, %get3A_26] : memref<128x128xf32, #tpu.memory_space<vmem>>, vector<128x128xf32>
    %dot_general3A_28 = arith.constant dense<0.000000e+00> : vector<2000x128xf32>
    %dot_general3A_29 = tpu.matmul %get3A_1, %get3A_27, %dot_general3A_28 {dimension_numbers = #tpu.dot_dimension_numbers<[1], [0], [0], [1], [0, 0, 1, 1], [], []>, transpose_lhs_hint = false} : vector<2000x128xf32>, vector<128x128xf32>, vector<2000x128xf32> -> vector<2000x128xf32>
    %get3A_30 = arith.constant 0 : index
    %get3A_31 = arith.constant 0 : index
    %get3A_32 = vector.load %arg8[%get3A_30, %get3A_31] : memref<1x128xf32, #tpu.memory_space<vmem>>, vector<1x128xf32>
    %add3A_33 = vector.broadcast %get3A_32 : vector<1x128xf32> to vector<2000x128xf32>
    %add3A_34 = arith.addf %dot_general3A_29, %add3A_33 : vector<2000x128xf32>
    %max3A = arith.constant 0.000000e+00 : f32
    %max3A_35 = vector.broadcast %max3A : f32 to vector<2000x128xf32>
    %max3A_36 = arith.maximumf %add3A_34, %max3A_35 : vector<2000x128xf32>
    %get3A_37 = arith.constant 0 : index
    %get3A_38 = arith.constant 0 : index
    %get3A_39 = vector.load %arg5[%get3A_37, %get3A_38] : memref<128x128xf32, #tpu.memory_space<vmem>>, vector<128x128xf32>
    %dot_general3A_40 = arith.constant dense<0.000000e+00> : vector<2000x128xf32>
    %dot_general3A_41 = tpu.matmul %max3A_36, %get3A_39, %dot_general3A_40 {dimension_numbers = #tpu.dot_dimension_numbers<[1], [0], [0], [1], [0, 0, 1, 1], [], []>, transpose_lhs_hint = false} : vector<2000x128xf32>, vector<128x128xf32>, vector<2000x128xf32> -> vector<2000x128xf32>
    %get3A_42 = arith.constant 0 : index
    %get3A_43 = arith.constant 0 : index
    %get3A_44 = vector.load %arg9[%get3A_42, %get3A_43] : memref<1x128xf32, #tpu.memory_space<vmem>>, vector<1x128xf32>
    %add3A_45 = vector.broadcast %get3A_44 : vector<1x128xf32> to vector<2000x128xf32>
    %add3A_46 = arith.addf %dot_general3A_41, %add3A_45 : vector<2000x128xf32>
    %swap3A_47 = arith.constant 0 : index
    %swap3A_48 = arith.constant 0 : index
    %swap3A_49 = vector.load %arg12[%swap3A_47, %swap3A_48] : memref<2000x128xf32, #tpu.memory_space<vmem>>, vector<2000x128xf32>
    tpu.vector_store %arg12[%swap3A_47, %swap3A_48], %add3A_46 {strides = array<i32>} : memref<2000x128xf32, #tpu.memory_space<vmem>>, vector<2000x128xf32>,
    return
  }
  func.func @transform_0(%arg0: i32) -> (i32, i32) {
    %c0_i32 = arith.constant 0 : i32
    %c0_i32_0 = arith.constant 0 : i32
    return %arg0, %c0_i32 : i32, i32
  }
  func.func @transform_1(%arg0: i32) -> (i32, i32) {
    %c0_i32 = arith.constant 0 : i32
    %c0_i32_0 = arith.constant 0 : i32
    %c0_i32_1 = arith.constant 0 : i32
    return %c0_i32, %c0_i32_0 : i32, i32
  }
  func.func @transform_2(%arg0: i32) -> (i32, i32) {
    %c0_i32 = arith.constant 0 : i32
    %c0_i32_0 = arith.constant 0 : i32
    %c0_i32_1 = arith.constant 0 : i32
    return %c0_i32, %c0_i32_0 : i32, i32
  }
  func.func @transform_3(%arg0: i32) -> (i32, i32) {
    %c0_i32 = arith.constant 0 : i32
    %c0_i32_0 = arith.constant 0 : i32
    %c0_i32_1 = arith.constant 0 : i32
    return %c0_i32, %c0_i32_0 : i32, i32
  }
  func.func @transform_4(%arg0: i32) -> (i32, i32) {
    %c0_i32 = arith.constant 0 : i32
    %c0_i32_0 = arith.constant 0 : i32
    %c0_i32_1 = arith.constant 0 : i32
    return %c0_i32, %c0_i32_0 : i32, i32
  }
  func.func @transform_5(%arg0: i32) -> (i32, i32) {
    %c0_i32 = arith.constant 0 : i32
    %c0_i32_0 = arith.constant 0 : i32
    %c0_i32_1 = arith.constant 0 : i32
    return %c0_i32, %c0_i32_0 : i32, i32
  }
  func.func @transform_6(%arg0: i32) -> (i32, i32) {
    %c0_i32 = arith.constant 0 : i32
    %c0_i32_0 = arith.constant 0 : i32
    %c0_i32_1 = arith.constant 0 : i32
    return %c0_i32, %c0_i32_0 : i32, i32
  }
  func.func @transform_7(%arg0: i32) -> (i32, i32) {
    %c0_i32 = arith.constant 0 : i32
    %c0_i32_0 = arith.constant 0 : i32
    %c0_i32_1 = arith.constant 0 : i32
    return %c0_i32, %c0_i32_0 : i32, i32
  }
  func.func @transform_8(%arg0: i32) -> (i32, i32) {
    %c0_i32 = arith.constant 0 : i32
    %c0_i32_0 = arith.constant 0 : i32
    %c0_i32_1 = arith.constant 0 : i32
    return %c0_i32, %c0_i32_0 : i32, i32
  }
  func.func @transform_9(%arg0: i32) -> (i32, i32) {
    %c0_i32 = arith.constant 0 : i32
    %c0_i32_0 = arith.constant 0 : i32
    return %arg0, %c0_i32 : i32, i32
  }
  func.func @transform_10(%arg0: i32) -> (i32, i32) {
    %c0_i32 = arith.constant 0 : i32
    %c0_i32_0 = arith.constant 0 : i32
    return %arg0, %c0_i32 : i32, i32
  }
  func.func @transform_11(%arg0: i32) -> (i32, i32) {
    %c0_i32 = arith.constant 0 : i32
    %c0_i32_0 = arith.constant 0 : i32
    return %arg0, %c0_i32 : i32, i32
  }
}

module attributes {stable_mosaic.version = 14 : i64} {
  func.func @_ex_body(%arg0: i32, %arg1: memref<4000x128xf32, #tpu.memory_space<vmem>>, %arg2: memref<4000x128xf32, #tpu.memory_space<vmem>>, %arg3: memref<4000x16xf32, #tpu.memory_space<vmem>>, %arg4: memref<16x128xf32, #tpu.memory_space<vmem>>, %arg5: memref<1x128xf32, #tpu.memory_space<vmem>>, %arg6: memref<4000x16xf32, #tpu.memory_space<vmem>>) attributes {dimension_semantics = [#tpu.dimension_semantics<arbitrary>], iteration_bounds = array<i64: 80>, scalar_prefetch = 0 : i64, scratch_operands = 0 : i64, tpu.core_type = #tpu.core_type<tc>, window_params = [{transform_indices = @transform_0, window_bounds = array<i64: 4000, 128>}, {transform_indices = @transform_1, window_bounds = array<i64: 4000, 128>}, {transform_indices = @transform_2, window_bounds = array<i64: 4000, 16>}, {pipeline_mode = #tpu.pipeline_mode<synchronous>, transform_indices = @transform_3, window_bounds = array<i64: 16, 128>}, {pipeline_mode = #tpu.pipeline_mode<synchronous>, transform_indices = @transform_4, window_bounds = array<i64: 1, 128>}, {transform_indices = @transform_5, window_bounds = array<i64: 4000, 16>}]} {
    %get3A = arith.constant 0 : index
    %get3A_0 = arith.constant 0 : index
    %get3A_1 = vector.load %arg3[%get3A, %get3A_0] : memref<4000x16xf32, #tpu.memory_space<vmem>>, vector<4000x16xf32>
    %get3A_2 = arith.constant 0 : index
    %get3A_3 = arith.constant 0 : index
    %get3A_4 = vector.load %arg4[%get3A_2, %get3A_3] : memref<16x128xf32, #tpu.memory_space<vmem>>, vector<16x128xf32>
    %dot_general3A = arith.constant dense<0.000000e+00> : vector<4000x128xf32>
    %dot_general3A_5 = tpu.matmul %get3A_1, %get3A_4, %dot_general3A {dimension_numbers = #tpu.dot_dimension_numbers<[1], [0], [0], [1], [0, 0, 1, 1], [], []>, transpose_lhs_hint = false} : vector<4000x16xf32>, vector<16x128xf32>, vector<4000x128xf32> -> vector<4000x128xf32>
    %get3A_6 = arith.constant 0 : index
    %get3A_7 = arith.constant 0 : index
    %get3A_8 = vector.load %arg5[%get3A_6, %get3A_7] : memref<1x128xf32, #tpu.memory_space<vmem>>, vector<1x128xf32>
    %add3A = vector.broadcast %get3A_8 : vector<1x128xf32> to vector<4000x128xf32>
    %add3A_9 = arith.addf %dot_general3A_5, %add3A : vector<4000x128xf32>
    %max3A = arith.constant 0.000000e+00 : f32
    %max3A_10 = vector.broadcast %max3A : f32 to vector<4000x128xf32>
    %max3A_11 = arith.maximumf %add3A_9, %max3A_10 : vector<4000x128xf32>
    %get3A_12 = arith.constant 0 : index
    %get3A_13 = arith.constant 0 : index
    %get3A_14 = vector.load %arg1[%get3A_12, %get3A_13] : memref<4000x128xf32, #tpu.memory_space<vmem>>, vector<4000x128xf32>
    %get3A_15 = arith.constant 0 : index
    %get3A_16 = arith.constant 0 : index
    %get3A_17 = vector.load %arg2[%get3A_15, %get3A_16] : memref<4000x128xf32, #tpu.memory_space<vmem>>, vector<4000x128xf32>
    %mul3A = arith.mulf %get3A_14, %get3A_17 : vector<4000x128xf32>
    %mul3A_18 = arith.mulf %mul3A, %max3A_11 : vector<4000x128xf32>
    %iota3A = tpu.iota {dimensions = array<i32: 0>} : vector<128x16xi32>
    %iota3A_19 = tpu.iota {dimensions = array<i32: 1>} : vector<128x16xi32>
    %jit3A = arith.constant 16 : i32
    %div3A = vector.broadcast %jit3A : i32 to vector<128x16xi32>
    %div3A_20 = arith.divsi %iota3A, %div3A : vector<128x16xi32>
    %sign3A = arith.constant 0 : i32
    %sign3A_21 = vector.broadcast %sign3A : i32 to vector<128x16xi32>
    %sign3A_22 = arith.cmpi sgt, %iota3A, %sign3A_21 : vector<128x16xi32>
    %sign3A_23 = arith.extui %sign3A_22 : vector<128x16xi1> to vector<128x16xi32>
    %sign3A_24 = arith.constant 0 : i32
    %sign3A_25 = vector.broadcast %sign3A_24 : i32 to vector<128x16xi32>
    %sign3A_26 = arith.cmpi slt, %iota3A, %sign3A_25 : vector<128x16xi32>
    %sign3A_27 = arith.extui %sign3A_26 : vector<128x16xi1> to vector<128x16xi32>
    %sign3A_28 = arith.subi %sign3A_23, %sign3A_27 : vector<128x16xi32>
    %sign3A_29 = arith.constant 0 : i32
    %sign3A_30 = arith.cmpi sgt, %jit3A, %sign3A_29 : i32
    %sign3A_31 = arith.extui %sign3A_30 : i1 to i32
    %sign3A_32 = arith.constant 0 : i32
    %sign3A_33 = arith.cmpi slt, %jit3A, %sign3A_32 : i32
    %sign3A_34 = arith.extui %sign3A_33 : i1 to i32
    %sign3A_35 = arith.subi %sign3A_31, %sign3A_34 : i32
    %ne3A = vector.broadcast %sign3A_35 : i32 to vector<128x16xi32>
    %ne3A_36 = arith.cmpi ne, %sign3A_28, %ne3A : vector<128x16xi32>
    %rem3A = vector.broadcast %jit3A : i32 to vector<128x16xi32>
    %rem3A_37 = arith.remsi %iota3A, %rem3A : vector<128x16xi32>
    %ne3A_38 = arith.constant 0 : i32
    %ne3A_39 = vector.broadcast %ne3A_38 : i32 to vector<128x16xi32>
    %ne3A_40 = arith.cmpi ne, %rem3A_37, %ne3A_39 : vector<128x16xi32>
    %and3A = arith.andi %ne3A_36, %ne3A_40 : vector<128x16xi1>
    %sub3A = arith.constant 1 : i32
    %sub3A_41 = vector.broadcast %sub3A : i32 to vector<128x16xi32>
    %sub3A_42 = arith.subi %div3A_20, %sub3A_41 : vector<128x16xi32>
    %select_n3A = arith.select %and3A, %sub3A_42, %div3A_20 : vector<128x16xi1>, vector<128x16xi32>
    %eq3A = arith.cmpi eq, %select_n3A, %iota3A_19 : vector<128x16xi32>
    %jit3A_43 = arith.constant 1.000000e+00 : f32
    %jit3A_44 = arith.constant 0.000000e+00 : f32
    %broadcast_in_dim3A = vector.broadcast %jit3A_43 : f32 to vector<128x16xf32>
    %broadcast_in_dim3A_45 = vector.broadcast %jit3A_44 : f32 to vector<128x16xf32>
    %select_n3A_46 = arith.select %eq3A, %broadcast_in_dim3A, %broadcast_in_dim3A_45 : vector<128x16xi1>, vector<128x16xf32>
    %dot_general3A_47 = arith.constant dense<0.000000e+00> : vector<4000x16xf32>
    %dot_general3A_48 = tpu.matmul %mul3A_18, %select_n3A_46, %dot_general3A_47 {dimension_numbers = #tpu.dot_dimension_numbers<[1], [0], [0], [1], [0, 0, 1, 1], [], []>, transpose_lhs_hint = false} : vector<4000x128xf32>, vector<128x16xf32>, vector<4000x16xf32> -> vector<4000x16xf32>
    %iota3A_49 = tpu.iota {dimensions = array<i32: 1>} : vector<4000x16xi32>
    %eq3A_50 = arith.constant 8 : i32
    %eq3A_51 = vector.broadcast %eq3A_50 : i32 to vector<4000x16xi32>
    %eq3A_52 = arith.cmpi eq, %iota3A_49, %eq3A_51 : vector<4000x16xi32>
    %lt3A = arith.constant 8 : i32
    %lt3A_53 = vector.broadcast %lt3A : i32 to vector<4000x16xi32>
    %lt3A_54 = arith.cmpi slt, %iota3A_49, %lt3A_53 : vector<4000x16xi32>
    %exp3A = math.exp %dot_general3A_48 : vector<4000x16xf32>
    %jit3A_55 = arith.constant 0.000000e+00 : f32
    %broadcast_in_dim3A_56 = vector.broadcast %jit3A_55 : f32 to vector<4000x16xf32>
    %select_n3A_57 = arith.select %lt3A_54, %exp3A, %broadcast_in_dim3A_56 : vector<4000x16xi1>, vector<4000x16xf32>
    %jit3A_58 = arith.constant 1.000000e+00 : f32
    %broadcast_in_dim3A_59 = vector.broadcast %jit3A_58 : f32 to vector<4000x16xf32>
    %select_n3A_60 = arith.select %eq3A_52, %broadcast_in_dim3A_59, %select_n3A_57 : vector<4000x16xi1>, vector<4000x16xf32>
    %swap3A = arith.constant 0 : index
    %swap3A_61 = arith.constant 0 : index
    %swap3A_62 = vector.load %arg6[%swap3A, %swap3A_61] : memref<4000x16xf32, #tpu.memory_space<vmem>>, vector<4000x16xf32>
    tpu.vector_store %arg6[%swap3A, %swap3A_61], %select_n3A_60 {strides = array<i32>} : memref<4000x16xf32, #tpu.memory_space<vmem>>, vector<4000x16xf32>,
    return
  }
  func.func @transform_0(%arg0: i32) -> (i32, i32) {
    %c0_i32 = arith.constant 0 : i32
    %c0_i32_0 = arith.constant 0 : i32
    return %arg0, %c0_i32 : i32, i32
  }
  func.func @transform_1(%arg0: i32) -> (i32, i32) {
    %c0_i32 = arith.constant 0 : i32
    %c0_i32_0 = arith.constant 0 : i32
    return %arg0, %c0_i32 : i32, i32
  }
  func.func @transform_2(%arg0: i32) -> (i32, i32) {
    %c0_i32 = arith.constant 0 : i32
    %c0_i32_0 = arith.constant 0 : i32
    return %arg0, %c0_i32 : i32, i32
  }
  func.func @transform_3(%arg0: i32) -> (i32, i32) {
    %c0_i32 = arith.constant 0 : i32
    %c0_i32_0 = arith.constant 0 : i32
    %c0_i32_1 = arith.constant 0 : i32
    return %c0_i32, %c0_i32_0 : i32, i32
  }
  func.func @transform_4(%arg0: i32) -> (i32, i32) {
    %c0_i32 = arith.constant 0 : i32
    %c0_i32_0 = arith.constant 0 : i32
    %c0_i32_1 = arith.constant 0 : i32
    return %c0_i32, %c0_i32_0 : i32, i32
  }
  func.func @transform_5(%arg0: i32) -> (i32, i32) {
    %c0_i32 = arith.constant 0 : i32
    %c0_i32_0 = arith.constant 0 : i32
    return %arg0, %c0_i32 : i32, i32
  }
}

module attributes {stable_mosaic.version = 14 : i64} {
  func.func @_scale_body(%arg0: i32, %arg1: memref<10240x16xf32, #tpu.memory_space<vmem>>, %arg2: memref<10240x16xf32, #tpu.memory_space<vmem>>, %arg3: memref<10240x128xf32, #tpu.memory_space<vmem>>) attributes {dimension_semantics = [#tpu.dimension_semantics<arbitrary>], iteration_bounds = array<i64: 1>, scalar_prefetch = 0 : i64, scratch_operands = 0 : i64, tpu.core_type = #tpu.core_type<tc>, window_params = [{pipeline_mode = #tpu.pipeline_mode<synchronous>, transform_indices = @transform_0, window_bounds = array<i64: 10240, 16>}, {pipeline_mode = #tpu.pipeline_mode<synchronous>, transform_indices = @transform_1, window_bounds = array<i64: 10240, 16>}, {pipeline_mode = #tpu.pipeline_mode<synchronous>, transform_indices = @transform_2, window_bounds = array<i64: 10240, 128>}]} {
    %get3A = arith.constant 0 : index
    %get3A_0 = arith.constant 0 : index
    %get3A_1 = vector.load %arg1[%get3A, %get3A_0] : memref<10240x16xf32, #tpu.memory_space<vmem>>, vector<10240x16xf32>
    %get3A_2 = arith.constant 0 : index
    %get3A_3 = arith.constant 0 : index
    %get3A_4 = vector.load %arg2[%get3A_2, %get3A_3] : memref<10240x16xf32, #tpu.memory_space<vmem>>, vector<10240x16xf32>
    %add3A = arith.addf %get3A_1, %get3A_4 : vector<10240x16xf32>
    %eq3A = arith.constant 0.000000e+00 : f32
    %eq3A_5 = vector.broadcast %eq3A : f32 to vector<10240x16xf32>
    %eq3A_6 = arith.cmpf oeq, %add3A, %eq3A_5 : vector<10240x16xf32>
    %jit3A = arith.constant 1.000000e+00 : f32
    %broadcast_in_dim3A = vector.broadcast %jit3A : f32 to vector<10240x16xf32>
    %select_n3A = arith.select %eq3A_6, %broadcast_in_dim3A, %add3A : vector<10240x16xi1>, vector<10240x16xf32>
    %slice3A = vector.extract_strided_slice %add3A {offsets = [0, 8], sizes = [10240, 1], strides = [1, 1]} : vector<10240x16xf32> to vector<10240x1xf32>
    %sqrt3A = math.sqrt %slice3A : vector<10240x1xf32>
    %mul3A = arith.constant 4.000000e+00 : f32
    %mul3A_7 = vector.broadcast %mul3A : f32 to vector<10240x16xf32>
    %mul3A_8 = arith.mulf %mul3A_7, %select_n3A : vector<10240x16xf32>
    %div3A = vector.broadcast %sqrt3A : vector<10240x1xf32> to vector<10240x16xf32>
    %div3A_9 = arith.divf %div3A, %mul3A_8 : vector<10240x16xf32>
    %iota3A = tpu.iota {dimensions = array<i32: 0>} : vector<16x128xi32>
    %iota3A_10 = tpu.iota {dimensions = array<i32: 1>} : vector<16x128xi32>
    %eq3A_11 = arith.cmpi eq, %iota3A_10, %iota3A : vector<16x128xi32>
    %lt3A = arith.constant 8 : i32
    %lt3A_12 = vector.broadcast %lt3A : i32 to vector<16x128xi32>
    %lt3A_13 = arith.cmpi slt, %iota3A_10, %lt3A_12 : vector<16x128xi32>
    %and3A = arith.andi %eq3A_11, %lt3A_13 : vector<16x128xi1>
    %jit3A_14 = arith.constant 1.000000e+00 : f32
    %jit3A_15 = arith.constant 0.000000e+00 : f32
    %broadcast_in_dim3A_16 = vector.broadcast %jit3A_14 : f32 to vector<16x128xf32>
    %broadcast_in_dim3A_17 = vector.broadcast %jit3A_15 : f32 to vector<16x128xf32>
    %select_n3A_18 = arith.select %and3A, %broadcast_in_dim3A_16, %broadcast_in_dim3A_17 : vector<16x128xi1>, vector<16x128xf32>
    %dot_general3A = arith.constant dense<0.000000e+00> : vector<10240x128xf32>
    %dot_general3A_19 = tpu.matmul %div3A_9, %select_n3A_18, %dot_general3A {dimension_numbers = #tpu.dot_dimension_numbers<[1], [0], [0], [1], [0, 0, 1, 1], [], []>, transpose_lhs_hint = false} : vector<10240x16xf32>, vector<16x128xf32>, vector<10240x128xf32> -> vector<10240x128xf32>
    %swap3A = arith.constant 0 : index
    %swap3A_20 = arith.constant 0 : index
    %swap3A_21 = vector.load %arg3[%swap3A, %swap3A_20] : memref<10240x128xf32, #tpu.memory_space<vmem>>, vector<10240x128xf32>
    tpu.vector_store %arg3[%swap3A, %swap3A_20], %dot_general3A_19 {strides = array<i32>} : memref<10240x128xf32, #tpu.memory_space<vmem>>, vector<10240x128xf32>,
    return
  }
  func.func @transform_0(%arg0: i32) -> (i32, i32) {
    %c0_i32 = arith.constant 0 : i32
    %c0_i32_0 = arith.constant 0 : i32
    %c0_i32_1 = arith.constant 0 : i32
    return %c0_i32, %c0_i32_0 : i32, i32
  }
  func.func @transform_1(%arg0: i32) -> (i32, i32) {
    %c0_i32 = arith.constant 0 : i32
    %c0_i32_0 = arith.constant 0 : i32
    %c0_i32_1 = arith.constant 0 : i32
    return %c0_i32, %c0_i32_0 : i32, i32
  }
  func.func @transform_2(%arg0: i32) -> (i32, i32) {
    %c0_i32 = arith.constant 0 : i32
    %c0_i32_0 = arith.constant 0 : i32
    %c0_i32_1 = arith.constant 0 : i32
    return %c0_i32, %c0_i32_0 : i32, i32
  }
}

module attributes {stable_mosaic.version = 14 : i64} {
  func.func @_comb_body(%arg0: i32, %arg1: memref<4000x16xf32, #tpu.memory_space<vmem>>, %arg2: memref<4000x128xf32, #tpu.memory_space<vmem>>, %arg3: memref<128x128xf32, #tpu.memory_space<vmem>>, %arg4: memref<1x128xf32, #tpu.memory_space<vmem>>, %arg5: memref<4000x128xf32, #tpu.memory_space<vmem>>) attributes {dimension_semantics = [#tpu.dimension_semantics<arbitrary>], iteration_bounds = array<i64: 80>, scalar_prefetch = 0 : i64, scratch_operands = 0 : i64, tpu.core_type = #tpu.core_type<tc>, window_params = [{transform_indices = @transform_0, window_bounds = array<i64: 4000, 16>}, {transform_indices = @transform_1, window_bounds = array<i64: 4000, 128>}, {pipeline_mode = #tpu.pipeline_mode<synchronous>, transform_indices = @transform_2, window_bounds = array<i64: 128, 128>}, {pipeline_mode = #tpu.pipeline_mode<synchronous>, transform_indices = @transform_3, window_bounds = array<i64: 1, 128>}, {transform_indices = @transform_4, window_bounds = array<i64: 4000, 128>}]} {
    %iota3A = tpu.iota {dimensions = array<i32: 0>} : vector<16x128xi32>
    %iota3A_0 = tpu.iota {dimensions = array<i32: 1>} : vector<16x128xi32>
    %jit3A = arith.constant 16 : i32
    %div3A = vector.broadcast %jit3A : i32 to vector<16x128xi32>
    %div3A_1 = arith.divsi %iota3A_0, %div3A : vector<16x128xi32>
    %sign3A = arith.constant 0 : i32
    %sign3A_2 = vector.broadcast %sign3A : i32 to vector<16x128xi32>
    %sign3A_3 = arith.cmpi sgt, %iota3A_0, %sign3A_2 : vector<16x128xi32>
    %sign3A_4 = arith.extui %sign3A_3 : vector<16x128xi1> to vector<16x128xi32>
    %sign3A_5 = arith.constant 0 : i32
    %sign3A_6 = vector.broadcast %sign3A_5 : i32 to vector<16x128xi32>
    %sign3A_7 = arith.cmpi slt, %iota3A_0, %sign3A_6 : vector<16x128xi32>
    %sign3A_8 = arith.extui %sign3A_7 : vector<16x128xi1> to vector<16x128xi32>
    %sign3A_9 = arith.subi %sign3A_4, %sign3A_8 : vector<16x128xi32>
    %sign3A_10 = arith.constant 0 : i32
    %sign3A_11 = arith.cmpi sgt, %jit3A, %sign3A_10 : i32
    %sign3A_12 = arith.extui %sign3A_11 : i1 to i32
    %sign3A_13 = arith.constant 0 : i32
    %sign3A_14 = arith.cmpi slt, %jit3A, %sign3A_13 : i32
    %sign3A_15 = arith.extui %sign3A_14 : i1 to i32
    %sign3A_16 = arith.subi %sign3A_12, %sign3A_15 : i32
    %ne3A = vector.broadcast %sign3A_16 : i32 to vector<16x128xi32>
    %ne3A_17 = arith.cmpi ne, %sign3A_9, %ne3A : vector<16x128xi32>
    %rem3A = vector.broadcast %jit3A : i32 to vector<16x128xi32>
    %rem3A_18 = arith.remsi %iota3A_0, %rem3A : vector<16x128xi32>
    %ne3A_19 = arith.constant 0 : i32
    %ne3A_20 = vector.broadcast %ne3A_19 : i32 to vector<16x128xi32>
    %ne3A_21 = arith.cmpi ne, %rem3A_18, %ne3A_20 : vector<16x128xi32>
    %and3A = arith.andi %ne3A_17, %ne3A_21 : vector<16x128xi1>
    %sub3A = arith.constant 1 : i32
    %sub3A_22 = vector.broadcast %sub3A : i32 to vector<16x128xi32>
    %sub3A_23 = arith.subi %div3A_1, %sub3A_22 : vector<16x128xi32>
    %select_n3A = arith.select %and3A, %sub3A_23, %div3A_1 : vector<16x128xi1>, vector<16x128xi32>
    %eq3A = arith.cmpi eq, %select_n3A, %iota3A : vector<16x128xi32>
    %jit3A_24 = arith.constant 1.000000e+00 : f32
    %jit3A_25 = arith.constant 0.000000e+00 : f32
    %broadcast_in_dim3A = vector.broadcast %jit3A_24 : f32 to vector<16x128xf32>
    %broadcast_in_dim3A_26 = vector.broadcast %jit3A_25 : f32 to vector<16x128xf32>
    %select_n3A_27 = arith.select %eq3A, %broadcast_in_dim3A, %broadcast_in_dim3A_26 : vector<16x128xi1>, vector<16x128xf32>
    %get3A = arith.constant 0 : index
    %get3A_28 = arith.constant 0 : index
    %get3A_29 = vector.load %arg1[%get3A, %get3A_28] : memref<4000x16xf32, #tpu.memory_space<vmem>>, vector<4000x16xf32>
    %dot_general3A = arith.constant dense<0.000000e+00> : vector<4000x128xf32>
    %dot_general3A_30 = tpu.matmul %get3A_29, %select_n3A_27, %dot_general3A {dimension_numbers = #tpu.dot_dimension_numbers<[1], [0], [0], [1], [0, 0, 1, 1], [], []>, transpose_lhs_hint = false} : vector<4000x16xf32>, vector<16x128xf32>, vector<4000x128xf32> -> vector<4000x128xf32>
    %get3A_31 = arith.constant 0 : index
    %get3A_32 = arith.constant 0 : index
    %get3A_33 = vector.load %arg2[%get3A_31, %get3A_32] : memref<4000x128xf32, #tpu.memory_space<vmem>>, vector<4000x128xf32>
    %mul3A = arith.mulf %dot_general3A_30, %get3A_33 : vector<4000x128xf32>
    %get3A_34 = arith.constant 0 : index
    %get3A_35 = arith.constant 0 : index
    %get3A_36 = vector.load %arg3[%get3A_34, %get3A_35] : memref<128x128xf32, #tpu.memory_space<vmem>>, vector<128x128xf32>
    %dot_general3A_37 = arith.constant dense<0.000000e+00> : vector<4000x128xf32>
    %dot_general3A_38 = tpu.matmul %mul3A, %get3A_36, %dot_general3A_37 {dimension_numbers = #tpu.dot_dimension_numbers<[1], [0], [0], [1], [0, 0, 1, 1], [], []>, transpose_lhs_hint = false} : vector<4000x128xf32>, vector<128x128xf32>, vector<4000x128xf32> -> vector<4000x128xf32>
    %get3A_39 = arith.constant 0 : index
    %get3A_40 = arith.constant 0 : index
    %get3A_41 = vector.load %arg4[%get3A_39, %get3A_40] : memref<1x128xf32, #tpu.memory_space<vmem>>, vector<1x128xf32>
    %add3A = vector.broadcast %get3A_41 : vector<1x128xf32> to vector<4000x128xf32>
    %add3A_42 = arith.addf %dot_general3A_38, %add3A : vector<4000x128xf32>
    %swap3A = arith.constant 0 : index
    %swap3A_43 = arith.constant 0 : index
    %swap3A_44 = vector.load %arg5[%swap3A, %swap3A_43] : memref<4000x128xf32, #tpu.memory_space<vmem>>, vector<4000x128xf32>
    tpu.vector_store %arg5[%swap3A, %swap3A_43], %add3A_42 {strides = array<i32>} : memref<4000x128xf32, #tpu.memory_space<vmem>>, vector<4000x128xf32>,
    return
  }
  func.func @transform_0(%arg0: i32) -> (i32, i32) {
    %c0_i32 = arith.constant 0 : i32
    %c0_i32_0 = arith.constant 0 : i32
    return %arg0, %c0_i32 : i32, i32
  }
  func.func @transform_1(%arg0: i32) -> (i32, i32) {
    %c0_i32 = arith.constant 0 : i32
    %c0_i32_0 = arith.constant 0 : i32
    return %arg0, %c0_i32 : i32, i32
  }
  func.func @transform_2(%arg0: i32) -> (i32, i32) {
    %c0_i32 = arith.constant 0 : i32
    %c0_i32_0 = arith.constant 0 : i32
    %c0_i32_1 = arith.constant 0 : i32
    return %c0_i32, %c0_i32_0 : i32, i32
  }
  func.func @transform_3(%arg0: i32) -> (i32, i32) {
    %c0_i32 = arith.constant 0 : i32
    %c0_i32_0 = arith.constant 0 : i32
    %c0_i32_1 = arith.constant 0 : i32
    return %c0_i32, %c0_i32_0 : i32, i32
  }
  func.func @transform_4(%arg0: i32) -> (i32, i32) {
    %c0_i32 = arith.constant 0 : i32
    %c0_i32_0 = arith.constant 0 : i32
    return %arg0, %c0_i32 : i32, i32
  }
}

</mosaic_0001>

<sc_bundles>
// kernel: kernel.12.cloned.1.call-start
scs
__scs_entry_jumppad:
0x0: {  	(pc) =	sbr.rel $0x88, $3  }
0x1: {  	(tag) =	ssettag $0x0;
	lr =	simm.s32 $0x1  }
0x2: {  	[smem:$0x3F92] =	sst lr;
	_ =	strace $0xD0000000  }
0x3: {  	_ = 	snop  }
0x4: {  	_ = 	snop  }
0x5: {  	_ = 	snop  }
0x6: {  	_ = 	snop  }
0x7: {  	_ = 	snop  }
__scs_overlays_trampoline_lowered:
0x8: {  	[smem:$0x3FA1] =	sst s0  }
0x9: {  	[smem:$0x3FA2] =	sst s1  }
0xa: {  	[smem:$0x3FA3] =	sst s2  }
0xb: {  	[smem:$0x3FA4] =	sst s3  }
0xc: {  	[smem:$0x3FA5] =	sst s4  }
0xd: {  	[smem:$0x3FA6] =	sst s5  }
0xe: {  	[smem:$0x3FA7] =	sst s6  }
0xf: {  	[smem:$0x3FA8] =	sst s7  }
0x10: {  	[smem:$0x3FA9] =	sst s8  }
0x11: {  	[smem:$0x3FAA] =	sst s9;
	s0 =	simm.s32 @!p0 $0x0  }
0x12: {  	s1 =	sld [smem:$0x3F90];
	s0 =	simm.s32 @p0 $0x1  }
0x13: {  	[smem:$0x3FAB] =	sst s0;
	s0 =	simm.s32 @!p1 $0x0  }
0x14: {  	s2 =	sld [smem:$0x3F8F];
	s0 =	simm.s32 @p1 $0x1  }
0x15: {  	[smem:$0x3FAC] =	sst s0;
	s0 =	simm.s32 @!p2 $0x0  }
0x16: {  	s3 =	sld [smem:$0x3FDB];
	s0 =	simm.s32 @p2 $0x1  }
0x17: {  	s4 =	simm.s32 $0x1BF5;
	[smem:$0x3FAE] =	sst s0  }
0x18: {  	s0 =	sld [smem:$0x3F91];
	_ =	swait.ge [sflag:s4], $0x0  }
0x19: {  	s7 =	sld [smem:$0x3F92]  }
0x1a: {  	s8 =	sadd.s32 $0xFFFFE003, lr  }
0x1b: {  	s9 =	sadd.s32 $0xFFFFFEF7, lr;
	s5 =	simm.s32 $0xFFFFFFFF;
	p2 =	slt.u32 s8, $0xFFFFF086  }
0x1c: {  	p1 =	slt.u32 s9, $0xF7A;
	s5 =	simm.s32 @!p2 $0x0  }
0x1d: {  	s5 =	simm.s32 @p1 $0x1;
	p0 =	seq.s32 s7, s2  }
0x1e: {  	s7 =	smul.u32 @!p0 $0xF7A, s2;
	p2 =	seq.s32 @!p0 s5, $0x0  }
0x1f: {  	s9 =	smul.u32 $0xF7A, s1;
	s8 =	simm.s32 @!p0 $0x1BF5;
	p2 =	por !p2, p0  }
0x20: {  	[sflag:s8] =	ssyncset.s32 @!p0 $0xFFFFF086;
	s6 =	sadd.s32 @!p0 s3, s7;
	s7 =	simm.s32 @!p0 $0x108  }
0x21: {  	s3 =	sadd.s32 s3, s9;
	s6 =	sadd.s32 @!p0 $0x88, s6;
	s7 =	simm.s32 @p2 $0x1082  }
0x22: {  	[simem:s7], [sflag:s8] =	dma.local @!p0 [hbm:s6], $0xF7A  }
0x23: {  	s9 =	sor.u32 $0xD0000000, s2;
	s6 =	simm.s32 $0x108;
	_ =	swait.ge @!p0 [sflag:s8], $0x0  }
0x24: {  	s3 =	sadd.s32 $0x88, s3;
	s6 =	simm.s32 @!p1 $0x1082;
	[sflag:s4] =	ssyncset.s32 $0xFFFFF086  }
0x25: {  	[simem:s6], [sflag:s4] =	dma.local [hbm:s3], $0xF7A  }
0x26: {  	[smem:$0x3F92] =	sst s1;
	(tag) =	ssettag s2;
	_ =	strace s9  }
0x27: {  	s1 =	sld [smem:$0x3FA2]  }
0x28: {  	s2 =	sld [smem:$0x3FA3]  }
0x29: {  	s4 =	sld [smem:$0x3FA5]  }
0x2a: {  	p0 =	seq.s32 s5, $0x0;
	s5 =	sld [smem:$0x3FA6]  }
0x2b: {  	s6 =	sld [smem:$0x3FA7]  }
0x2c: {  	s7 =	sld [smem:$0x3FA8]  }
0x2d: {  	s3 =	simm.s32 $0x108;
	s8 =	sld [smem:$0x3FA9]  }
0x2e: {  	s3 =	simm.s32 @!p0 $0x1082;
	s9 =	sld [smem:$0x3FAA]  }
0x2f: {  	lr =	sadd.s32 s0, s3;
	s0 =	sld [smem:$0x3FA1]  }
0x30: {  	s3 =	sld [smem:$0x3FA4]  }
0x31: {  	[smem:$0x3FAD] =	sst s10  }
0x32: {  	s10 =	sld [smem:$0x3FAB];
	_ =	sdelay $0x3  }
0x33: {  	p0 =	seq.s32 s10, $0x1;
	s10 =	sld [smem:$0x3FAD];
	_ =	sdelay $0x3  }
0x34: {  	[smem:$0x3FAD] =	sst s10  }
0x35: {  	s10 =	sld [smem:$0x3FAC];
	_ =	sdelay $0x3  }
0x36: {  	p1 =	seq.s32 s10, $0x1;
	s10 =	sld [smem:$0x3FAD];
	_ =	sdelay $0x3  }
0x37: {  	[smem:$0x3FAD] =	sst s10  }
0x38: {  	s10 =	sld [smem:$0x3FAE]  }
0x39: {  	_ = 	snop;
	(pc) =	sbr.ind lr, $3  }
0x3a: {  	_ = 	snop  }
0x3b: {  	_ = 	snop  }
0x3c: {  	p2 =	seq.s32 s10, $0x1;
	s10 =	sld [smem:$0x3FAD]  }
0x3d: {  	_ =	shalt  }
0x3e: {  	_ =	shalt  }
0x3f: {  	_ =	shalt  }
0x40: {  	_ =	shalt  }
0x41: {  	_ =	shalt  }
0x42: {  	_ =	shalt  }
0x43: {  	_ =	shalt  }
0x44: {  	_ =	shalt  }
0x45: {  	_ =	shalt  }
0x46: {  	_ =	shalt  }
0x47: {  	_ =	shalt  }
0x48: {  	_ =	shalt  }
0x49: {  	_ =	shalt  }
0x4a: {  	_ =	shalt  }
0x4b: {  	_ =	shalt  }
0x4c: {  	_ =	shalt  }
0x4d: {  	_ =	shalt  }
0x4e: {  	_ =	shalt  }
0x4f: {  	_ =	shalt  }
0x50: {  	_ =	shalt  }
0x51: {  	_ =	shalt  }
0x52: {  	_ =	shalt  }
0x53: {  	_ =	shalt  }
0x54: {  	_ =	shalt  }
0x55: {  	_ =	shalt  }
0x56: {  	_ =	shalt  }
0x57: {  	_ =	shalt  }
0x58: {  	_ =	shalt  }
0x59: {  	_ =	shalt  }
0x5a: {  	_ =	shalt  }
0x5b: {  	_ =	shalt  }
0x5c: {  	_ =	shalt  }
0x5d: {  	_ =	shalt  }
0x5e: {  	_ =	shalt  }
0x5f: {  	_ =	shalt  }
0x60: {  	_ =	shalt  }
0x61: {  	_ =	shalt  }
0x62: {  	_ =	shalt  }
0x63: {  	_ =	shalt  }
0x64: {  	_ =	shalt  }
0x65: {  	_ =	shalt  }
0x66: {  	_ =	shalt  }
0x67: {  	_ =	shalt  }
0x68: {  	_ =	shalt  }
0x69: {  	_ =	shalt  }
0x6a: {  	_ =	shalt  }
0x6b: {  	_ =	shalt  }
0x6c: {  	_ =	shalt  }
0x6d: {  	_ =	shalt  }
0x6e: {  	_ =	shalt  }
0x6f: {  	_ =	shalt  }
0x70: {  	_ =	shalt  }
0x71: {  	_ =	shalt  }
0x72: {  	_ =	shalt  }
0x73: {  	_ =	shalt  }
0x74: {  	_ =	shalt  }
0x75: {  	_ =	shalt  }
0x76: {  	_ =	shalt  }
0x77: {  	_ =	shalt  }
0x78: {  	_ =	shalt  }
0x79: {  	_ =	shalt  }
0x7a: {  	_ =	shalt  }
0x7b: {  	_ =	shalt  }
0x7c: {  	_ =	shalt  }
0x7d: {  	_ =	shalt  }
0x7e: {  	_ =	shalt  }
0x7f: {  	_ =	shalt  }
0x80: {  	_ =	shalt  }
0x81: {  	_ =	shalt  }
0x82: {  	_ =	shalt  }
0x83: {  	_ =	shalt  }
0x84: {  	_ =	shalt  }
0x85: {  	_ =	shalt  }
0x86: {  	_ =	shalt  }
0x87: {  	_ =	shalt  }
.Lfunc_end0:
.L_simem_size_0:
called_computation.1_lowered:
.L_overlay_start_0:
0x88: {  	s2 =	sld [smem:$0x3FD9]  }
0x89: {  	s3 =	sld [smem:$0x3FFE];
	_ =	sdelay $0x1  }
0x8a: {  	s1 =	srdreg.scid  }
0x8b: {  	s0 =	sand.u32 $0x1, s1  }
0x8c: {  	s17 =	sshll.u32 s0, $0xA;
	s2 =	sadd.s32 s3, s2  }
0x8d: {  	s2 =	sadd.s32 s2, s17  }
0x8e: {  	[smem:$0x3FB9] =	sst s2  }
0x8f: {  	_ = 	snop  }
0x90: {  	s2 =	sld [smem:$0x3FD0];
	(tm) =	ssettm $0x1  }
0x91: {  	s18 =	sld [smem:$0x3FFB];
	_ =	sdelay $0x3  }
0x92: {  	_ =	strace s18  }
0x93: {  	s3 =	sld [smem:$0x3FFC];
	_ =	sdelay $0x3  }
0x94: {  	_ =	strace s3  }
0x95: {  	s3 =	sld [smem:$0x3FFD];
	_ =	sdelay $0x3  }
0x96: {  	_ =	strace s3  }
0x97: {  	_ =	strace $0x8FFFFFFF  }
0x98: {  	s19 =	sld [smem:$0x3FDB];
	_ =	sdelay $0x1  }
0x99: {  	s4 =	simm.s32 $_scs_section_size  }
0x9a: {  	s5 =	simm.s32 $_size__tile_overlayer_lowered;
	s6 =	simm.s32 $_tile_overlayer_lowered  }
0x9b: {  	s22 =	simm.s32 $0x1BFF;
	s21 =	sshll.u32 s6, $0x1;
	s3 =	sadd.s32 s4, s19  }
0x9c: {  	s7 =	simm.s32 $0x0;
	s20 =	sshll.u32 s5, $0x1;
	s5 =	sadd.s32 s21, s3  }
0x9d: {  	[timem:s7], [sflag:s22] =	dma.local [hbm:s5], s20  }
0x9e: {  	_ =	swait.ge [sflag:s22], s20  }
0x9f: {  	s4 =	ssub.s32 $0x0, s20;
	[sflag:s22] =	ssyncset.done $0x0  }
0xa0: {  	[sflag:s22] =	ssyncadd.s32 s4;
	_ =	sdelay $0x1  }
0xa1: {  	s23 =	simm.s32 $0x1B8B  }
0xa2: {  	_ =	swait.ge [sflag:s23], $0x1  }
0xa3: {  	[sflag:s23] =	ssyncset.done $0x0  }
0xa4: {  	s25 =	simm.s32 $0x1B8E;
	s24 =	sld [smem:$0x3FFE];
	[sflag:s23] =	ssyncadd.s32 $0xFFFFFFFF  }
0xa5: {  	s26 =	simm.s32 $execute0_lowered;
	[smem:$0x3FD2] =	sst s25  }
0xa6: {  	s5 =	sshll.u32 s26, $0x1;
	_ =	strace $0x80000049;
	[dreg:$0x1] =	wrdreg $0xFFFFFFFF  }
0xa7: {  	s28 =	simm.s32 $_size_execute0_lowered;
	s3 =	sadd.s32 s3, s5;
	[dreg:$0x0] =	wrdreg $0x0  }
0xa8: {  	s5 =	sshll.u32 s28, $0x1;
	[dreg:$0x2] =	wrdreg s3  }
0xa9: {  	[dreg:$0x3] =	wrdreg s5  }
0xaa: {  	[dreg:$0x4] =	wrdreg $0xC0  }
0xab: {  	_ =	task [dreg:s7], $0x5FFFF  }
0xac: {  	[dreg:$0x1] =	wrdreg $0xFFFFFFFF  }
0xad: {  	[dreg:$0x0] =	wrdreg $0x60  }
0xae: {  	[dreg:$0x2] =	wrdreg s24  }
0xaf: {  	[dreg:$0x3] =	wrdreg s2  }
0xb0: {  	[dreg:$0x4] =	wrdreg $0x28800  }
0xb1: {  	[dreg:$0x5] =	wrdreg $0x9  }
0xb2: {  	_ =	task.clear_ibuf [dreg:s7], $0x6FFFF;
	_ =	strace $0x90000049  }
0xb3: {  	s29 =	simm.s32 $0x9;
	_ =	strace $0x8000004B  }
0xb4: {  	_ =	swait.ge [sflag:s29], $0x1  }
0xb5: {  	[sflag:s29] =	ssyncadd.s32 $0xFFFFFFFF  }
0xb6: {  	_ =	strace $0x9000004B  }
0xb7: {  	_ =	sfence  }
0xb8: {  	s30 =	sld [smem:$0x0];
	_ =	sdelay $0x2  }
0xb9: {  	s31 =	sshll.u32 s1, $0xD;
	s1 =	sshrl.u32 s1, $0x2  }
0xba: {  	s3 =	sand.u32 $0x4000, s31;
	s1 =	sadd.s32 s1, s30  }
0xbb: {  	s0 =	sor.u32 s3, s0;
	s1 =	sshll.u32 s1, $0x11  }
0xbc: {  	s0 =	sor.u32 s1, s0  }
0xbd: {  	s0 =	sadd.s32 $0x8F2B, s0  }
0xbe: {  	[sflag:s0] =	ssyncadd.remote.s32 $0x1  }
0xbf: {  	_ =	sfence.sel $0xFFFF  }
0xc0: {  	[dreg:$0x0] =	wrdreg $0xFFFFFFFF;
	(pc) =	sbr.abs _section_cstart, $3  }
0xc1: {  	[dreg:$0x1] =	wrdreg $0xFFFFFFFF  }
0xc2: {  	_ =	task.clear_ibuf [dreg:s7], $0x2FFFF;
	_ =	strace $0x9FFFFFFF  }
0xc3: {  	(tm) =	ssettm $0x7FFFFFFF  }
tec
execute0_lowered:
.L_overlay_start_1:
0x0: {  	(tag) =	ssettag $0x1  }
0x1: {  	s0 =	stileid.u32  }
0x2: {  	s4 =	rddreg [dreg:$0x0];
	s5 =	smul.u32 $0x4E200, s0  }
0x3: {  	s6 =	rddreg [dreg:$0x1];
	s8 =	smul.u32 $0x4E20, s0  }
0x4: {  	s1 =	srdreg.scid;
	s10 =	smul.u32 $0x14000, s0  }
0x5: {  	s2 =	rddreg [dreg:$0x2];
	s7 =	sand.u32 $0x1, s1;
	s25 =	smul.u32 $0x50000, s0  }
0x6: {  	s3 =	simm.s32 $0x0;
	s1 =	rddreg [dreg:$0x3];
	s9 =	smul.u32 $0x2710, s7  }
0x7: {  	[smem:$0x7FF] =	sst s3;
	s29 =	sshll.u32 s0, $0x6;
	s13 =	smul.u32 $0x140000, s7  }
0x8: {  	_ =	strace $0x8000004A;
	s26 =	ssub.s32 $0x2, s7;
	s7 =	smul.u32 $0x27100, s7  }
0x9: {  	s11 =	sadd.s32 s5, s4;
	s24 =	sshrl.u32 s10, $0x3;
	s28 =	sshrl.u32 s26, $0x1  }
0xa: {  	s23 =	sadd.s32 s9, s8;
	s9 =	sshrl.u32 s25, $0x2;
	s8 =	ssub.s32 s26, s28  }
0xb: {  	s30 =	sadd.s32 s10, s13;
	s31 =	sadd.s32 s7, s11;
	s11 =	simm.s32 $0x1  }
0xc: {  	s13 =	simm.s32 $0x50;
	s5 =	sshrl.u32 s23, $0x3;
	s14 =	sadd.s32 s9, s2  }
0xd: {  	s9 =	sshrl.u32 s30, $0x3;
	s7 =	smax.u32 s8, $0x1;
	s8 =	sadd.s32 $0xF33200, s31  }
0xe: {  	s12 =	sadd.s32 s5, s4;
	s4 =	sadd.s32 s24, s4;
	s5 =	sor.u32 $0x1C01, s29  }
0xf: {  	s6 =	sadd.s32 s6, s9;
	s10 =	sshrl.u32 s14, $0x3;
	s14 =	simm.s32 $0x0  }
0x10: {  	s4 =	sadd.s32 $0x17C00, s4;
	s9 =	sadd.s32 $0xDE00, s12;
	s12 =	simm.s32 $0x80  }
.LBB2_1:
0x11: {  	[spmem:s10], [sflag:s5] =	dma.local [hbm:s4], $0x2800  }
0x12: {  	_ =	swait.ge [sflag:s11], $0x2800  }
0x13: {  	[sflag:s11] =	ssyncset.done $0x0  }
0x14: {  	[sflag:s11] =	ssyncadd.s32 $0xFFFFD800  }
0x15: {  	s15 =	sadd.s32 $0x0, s9;
	[bflag:$0x0] =	sbarrier.arrive $0xFFFF  }
0x16: {  	[tilespmem:s3], [sflag:$0x1] =	stream.linear.gather [hbm4b:s15+s3], $0x50, $0x38;
	[tilespmem:$0x5080] =	vst v63  }
0x17: {  	_ =	swait.ge [sflag:s11], $0x50  }
0x18: {  	[sflag:s11] =	ssyncset.done $0x0  }
0x19: {  	[sflag:s11] =	ssyncadd.s32 $0xFFFFFFB0  }
0x1a: {  	[tilespmem:s12], [sflag:$0x1] =	stream.linear.gather [hbm4b:s8+s3], $0x2800, $0x38;
	[tilespmem:$0x5080] =	vst v63  }
0x1b: {  	_ =	swait.ge [sflag:s11], $0x2800  }
0x1c: {  	[sflag:s11] =	ssyncset.done $0x0  }
0x1d: {  	[sflag:s11] =	ssyncadd.s32 $0xFFFFD800  }
0x1e: {  	[spmem:s2] =	stream.indirect.scatter.add.f32 [tilespmem:s12], [sflag:$0x1], $0x10, s3, s13, $0xb8;
	[tilespmem:$0x5080] =	vst v63  }
0x1f: {  	s16 =	simm.s32 $0xA;
	_ =	swait.ge [sflag:s11], $0x500  }
0x20: {  	s17 =	simm.s32 $0x14;
	s15 =	sadd.s32 $0x500, s8;
	[sflag:s11] =	ssyncset.done $0x0  }
.LBB2_2:
0x21: {  	s18 =	sadd.s32 s16, s9  }
0x22: {  	[sflag:s11] =	ssyncadd.s32 $0xFFFFFB00;
	s16 =	smov.u32 s17;
	s19 =	sadd.s32 $0xA, s17  }
0x23: {  	[tilespmem:s3], [sflag:$0x1] =	stream.linear.gather [hbm4b:s18+s3], $0x50, $0x38;
	[tilespmem:$0x5080] =	vst v63  }
0x24: {  	p0 =	sne.s32 s17, $0x4D8;
	_ =	swait.ge [sflag:s11], $0x50  }
0x25: {  	[sflag:s11] =	ssyncset.done $0x0  }
0x26: {  	[sflag:s11] =	ssyncadd.s32 $0xFFFFFFB0  }
0x27: {  	[tilespmem:s12], [sflag:$0x1] =	stream.linear.gather [hbm4b:s15+s3], $0x2800, $0x38;
	[tilespmem:$0x5080] =	vst v63  }
0x28: {  	_ =	swait.ge [sflag:s11], $0x2800  }
.Ltmp0:
0x29: {  	[sflag:s11] =	ssyncset.done $0x0;
	(pc) =	sbr.rel @p0 .LBB2_2-.Ltmp0, $4  }
0x2a: {  	[sflag:s11] =	ssyncadd.s32 $0xFFFFD800  }
0x2b: {  	[spmem:s2] =	stream.indirect.scatter.add.f32 [tilespmem:s12], [sflag:$0x1], $0x10, s3, s13, $0xb8;
	[tilespmem:$0x5080] =	vst v63  }
0x2c: {  	_ =	swait.ge [sflag:s11], $0x500  }
0x2d: {  	s17 =	smov.u32 s19;
	s15 =	sadd.s32 $0x500, s15;
	[sflag:s11] =	ssyncset.done $0x0  }
0x2e: {  	s16 =	sadd.s32 s16, s9;
	[sflag:s11] =	ssyncadd.s32 $0xFFFFFB00  }
0x2f: {  	[tilespmem:s3], [sflag:$0x1] =	stream.linear.gather [hbm4b:s16+s3], $0x50, $0x38;
	[tilespmem:$0x5080] =	vst v63  }
0x30: {  	_ =	swait.ge [sflag:s11], $0x50  }
0x31: {  	[sflag:s11] =	ssyncset.done $0x0  }
0x32: {  	[sflag:s11] =	ssyncadd.s32 $0xFFFFFFB0  }
0x33: {  	[tilespmem:s12], [sflag:$0x1] =	stream.linear.gather [hbm4b:s15+s3], $0x2800, $0x38;
	[tilespmem:$0x5080] =	vst v63  }
0x34: {  	_ =	swait.ge [sflag:s11], $0x2800  }
0x35: {  	[sflag:s11] =	ssyncset.done $0x0  }
0x36: {  	[sflag:s11] =	ssyncadd.s32 $0xFFFFD800  }
0x37: {  	[spmem:s2] =	stream.indirect.scatter.add.f32 [tilespmem:s12], [sflag:$0x1], $0x10, s3, s13, $0xb8;
	[tilespmem:$0x5080] =	vst v63  }
0x38: {  	_ =	swait.ge [sflag:s11], $0x500  }
0x39: {  	s14 =	sadd.s32 $0x1, s14;
	[sflag:s11] =	ssyncset.done $0x0  }
0x3a: {  	p0 =	sne.s32 s14, s7;
	[sflag:s11] =	ssyncadd.s32 $0xFFFFFB00  }
.Ltmp1:
0x3b: {  	[bflag:$0x0] =	sbarrier.arrive $0xFFFF;
	(pc) =	sbr.rel @p0 .LBB2_1-.Ltmp1, $4  }
0x3c: {  	[hbm:s6], [sflag:s5] =	dma.local [spmem:s10], $0x2800  }
0x3d: {  	_ =	swait.ge [sflag:s11], $0x2800  }
0x3e: {  	[sflag:s11] =	ssyncset.done $0x0  }
0x3f: {  	[sflag:s11] =	ssyncadd.s32 $0xFFFFD800  }
0x40: {  	_ =	sfence.sel $0x180000  }
0x41: {  	[bflag:$0x0] =	sbarrier.arrive $0xFFFF  }
0x42: {  	p0 =	sne.s32 s0, $0x0;
	_ =	strace $0x9000004A  }
0x43: {  	s0 =	sadd.s32 @!p0 $0x100000, s1;
	[bflag:$0x2] =	sbarrier.arrive $0xFFFF  }
0x44: {  	[sflag:s0] =	ssyncadd.tile.s32 @!p0 $0x1;
	_ =	shalt  }
.Lfunc_end2:
_tile_overlayer_lowered:
.L_overlay_start_2:
0x45: {  	(tag) =	ssettag $0x2  }
0x46: {  	s0 =	rddreg [dreg:$0x0];
	s2 =	stileid.u32  }
0x47: {  	s1 =	rddreg [dreg:$0x1];
	p0 =	sne.s32 s2, $0x0  }
0x48: {  	s3 =	rddreg [dreg:$0x2];
	[bflag:$0x3] =	sbarrier.arrive $0xFFFF;
	s2 =	simm.s32 @!p0 $0x1C01  }
0x49: {  	[timem:s3], [sflag:s2] =	dma.local @!p0 [hbm:s0], s1  }
0x4a: {  	s0 =	simm.s32 @!p0 $0x1  }
0x4b: {  	_ =	swait.ge @!p0 [sflag:s0], s1  }
0x4c: {  	s1 =	ssub.s32 @!p0 $0x0, s1;
	[sflag:s0] =	ssyncset.done @!p0 $0x0  }
0x4d: {  	[sflag:s0] =	ssyncadd.s32 @!p0 s1  }
0x4e: {  	[bflag:$0x3] =	sbarrier.arrive $0xFFFF  }
0x4f: {  	_ =	shalt  }

// kernel: kernel.15.cloned.1.call-start
scs
__scs_entry_jumppad:
0x0: {  	(pc) =	sbr.rel $0x88, $3  }
0x1: {  	(tag) =	ssettag $0x0;
	lr =	simm.s32 $0x1  }
0x2: {  	[smem:$0x3F92] =	sst lr;
	_ =	strace $0xD0000000  }
0x3: {  	_ = 	snop  }
0x4: {  	_ = 	snop  }
0x5: {  	_ = 	snop  }
0x6: {  	_ = 	snop  }
0x7: {  	_ = 	snop  }
__scs_overlays_trampoline_lowered:
0x8: {  	[smem:$0x3FA1] =	sst s0  }
0x9: {  	[smem:$0x3FA2] =	sst s1  }
0xa: {  	[smem:$0x3FA3] =	sst s2  }
0xb: {  	[smem:$0x3FA4] =	sst s3  }
0xc: {  	[smem:$0x3FA5] =	sst s4  }
0xd: {  	[smem:$0x3FA6] =	sst s5  }
0xe: {  	[smem:$0x3FA7] =	sst s6  }
0xf: {  	[smem:$0x3FA8] =	sst s7  }
0x10: {  	[smem:$0x3FA9] =	sst s8  }
0x11: {  	[smem:$0x3FAA] =	sst s9;
	s0 =	simm.s32 @!p0 $0x0  }
0x12: {  	s1 =	sld [smem:$0x3F90];
	s0 =	simm.s32 @p0 $0x1  }
0x13: {  	[smem:$0x3FAB] =	sst s0;
	s0 =	simm.s32 @!p1 $0x0  }
0x14: {  	s2 =	sld [smem:$0x3F8F];
	s0 =	simm.s32 @p1 $0x1  }
0x15: {  	[smem:$0x3FAC] =	sst s0;
	s0 =	simm.s32 @!p2 $0x0  }
0x16: {  	s3 =	sld [smem:$0x3FDB];
	s0 =	simm.s32 @p2 $0x1  }
0x17: {  	s4 =	simm.s32 $0x1BF5;
	[smem:$0x3FAE] =	sst s0  }
0x18: {  	s0 =	sld [smem:$0x3F91];
	_ =	swait.ge [sflag:s4], $0x0  }
0x19: {  	s7 =	sld [smem:$0x3F92]  }
0x1a: {  	s8 =	sadd.s32 $0xFFFFE003, lr  }
0x1b: {  	s9 =	sadd.s32 $0xFFFFFEF7, lr;
	s5 =	simm.s32 $0xFFFFFFFF;
	p2 =	slt.u32 s8, $0xFFFFF086  }
0x1c: {  	p1 =	slt.u32 s9, $0xF7A;
	s5 =	simm.s32 @!p2 $0x0  }
0x1d: {  	s5 =	simm.s32 @p1 $0x1;
	p0 =	seq.s32 s7, s2  }
0x1e: {  	s7 =	smul.u32 @!p0 $0xF7A, s2;
	p2 =	seq.s32 @!p0 s5, $0x0  }
0x1f: {  	s9 =	smul.u32 $0xF7A, s1;
	s8 =	simm.s32 @!p0 $0x1BF5;
	p2 =	por !p2, p0  }
0x20: {  	[sflag:s8] =	ssyncset.s32 @!p0 $0xFFFFF086;
	s6 =	sadd.s32 @!p0 s3, s7;
	s7 =	simm.s32 @!p0 $0x108  }
0x21: {  	s3 =	sadd.s32 s3, s9;
	s6 =	sadd.s32 @!p0 $0x88, s6;
	s7 =	simm.s32 @p2 $0x1082  }
0x22: {  	[simem:s7], [sflag:s8] =	dma.local @!p0 [hbm:s6], $0xF7A  }
0x23: {  	s9 =	sor.u32 $0xD0000000, s2;
	s6 =	simm.s32 $0x108;
	_ =	swait.ge @!p0 [sflag:s8], $0x0  }
0x24: {  	s3 =	sadd.s32 $0x88, s3;
	s6 =	simm.s32 @!p1 $0x1082;
	[sflag:s4] =	ssyncset.s32 $0xFFFFF086  }
0x25: {  	[simem:s6], [sflag:s4] =	dma.local [hbm:s3], $0xF7A  }
0x26: {  	[smem:$0x3F92] =	sst s1;
	(tag) =	ssettag s2;
	_ =	strace s9  }
0x27: {  	s1 =	sld [smem:$0x3FA2]  }
0x28: {  	s2 =	sld [smem:$0x3FA3]  }
0x29: {  	s4 =	sld [smem:$0x3FA5]  }
0x2a: {  	p0 =	seq.s32 s5, $0x0;
	s5 =	sld [smem:$0x3FA6]  }
0x2b: {  	s6 =	sld [smem:$0x3FA7]  }
0x2c: {  	s7 =	sld [smem:$0x3FA8]  }
0x2d: {  	s3 =	simm.s32 $0x108;
	s8 =	sld [smem:$0x3FA9]  }
0x2e: {  	s3 =	simm.s32 @!p0 $0x1082;
	s9 =	sld [smem:$0x3FAA]  }
0x2f: {  	lr =	sadd.s32 s0, s3;
	s0 =	sld [smem:$0x3FA1]  }
0x30: {  	s3 =	sld [smem:$0x3FA4]  }
0x31: {  	[smem:$0x3FAD] =	sst s10  }
0x32: {  	s10 =	sld [smem:$0x3FAB];
	_ =	sdelay $0x3  }
0x33: {  	p0 =	seq.s32 s10, $0x1;
	s10 =	sld [smem:$0x3FAD];
	_ =	sdelay $0x3  }
0x34: {  	[smem:$0x3FAD] =	sst s10  }
0x35: {  	s10 =	sld [smem:$0x3FAC];
	_ =	sdelay $0x3  }
0x36: {  	p1 =	seq.s32 s10, $0x1;
	s10 =	sld [smem:$0x3FAD];
	_ =	sdelay $0x3  }
0x37: {  	[smem:$0x3FAD] =	sst s10  }
0x38: {  	s10 =	sld [smem:$0x3FAE]  }
0x39: {  	_ = 	snop;
	(pc) =	sbr.ind lr, $3  }
0x3a: {  	_ = 	snop  }
0x3b: {  	_ = 	snop  }
0x3c: {  	p2 =	seq.s32 s10, $0x1;
	s10 =	sld [smem:$0x3FAD]  }
0x3d: {  	_ =	shalt  }
0x3e: {  	_ =	shalt  }
0x3f: {  	_ =	shalt  }
0x40: {  	_ =	shalt  }
0x41: {  	_ =	shalt  }
0x42: {  	_ =	shalt  }
0x43: {  	_ =	shalt  }
0x44: {  	_ =	shalt  }
0x45: {  	_ =	shalt  }
0x46: {  	_ =	shalt  }
0x47: {  	_ =	shalt  }
0x48: {  	_ =	shalt  }
0x49: {  	_ =	shalt  }
0x4a: {  	_ =	shalt  }
0x4b: {  	_ =	shalt  }
0x4c: {  	_ =	shalt  }
0x4d: {  	_ =	shalt  }
0x4e: {  	_ =	shalt  }
0x4f: {  	_ =	shalt  }
0x50: {  	_ =	shalt  }
0x51: {  	_ =	shalt  }
0x52: {  	_ =	shalt  }
0x53: {  	_ =	shalt  }
0x54: {  	_ =	shalt  }
0x55: {  	_ =	shalt  }
0x56: {  	_ =	shalt  }
0x57: {  	_ =	shalt  }
0x58: {  	_ =	shalt  }
0x59: {  	_ =	shalt  }
0x5a: {  	_ =	shalt  }
0x5b: {  	_ =	shalt  }
0x5c: {  	_ =	shalt  }
0x5d: {  	_ =	shalt  }
0x5e: {  	_ =	shalt  }
0x5f: {  	_ =	shalt  }
0x60: {  	_ =	shalt  }
0x61: {  	_ =	shalt  }
0x62: {  	_ =	shalt  }
0x63: {  	_ =	shalt  }
0x64: {  	_ =	shalt  }
0x65: {  	_ =	shalt  }
0x66: {  	_ =	shalt  }
0x67: {  	_ =	shalt  }
0x68: {  	_ =	shalt  }
0x69: {  	_ =	shalt  }
0x6a: {  	_ =	shalt  }
0x6b: {  	_ =	shalt  }
0x6c: {  	_ =	shalt  }
0x6d: {  	_ =	shalt  }
0x6e: {  	_ =	shalt  }
0x6f: {  	_ =	shalt  }
0x70: {  	_ =	shalt  }
0x71: {  	_ =	shalt  }
0x72: {  	_ =	shalt  }
0x73: {  	_ =	shalt  }
0x74: {  	_ =	shalt  }
0x75: {  	_ =	shalt  }
0x76: {  	_ =	shalt  }
0x77: {  	_ =	shalt  }
0x78: {  	_ =	shalt  }
0x79: {  	_ =	shalt  }
0x7a: {  	_ =	shalt  }
0x7b: {  	_ =	shalt  }
0x7c: {  	_ =	shalt  }
0x7d: {  	_ =	shalt  }
0x7e: {  	_ =	shalt  }
0x7f: {  	_ =	shalt  }
0x80: {  	_ =	shalt  }
0x81: {  	_ =	shalt  }
0x82: {  	_ =	shalt  }
0x83: {  	_ =	shalt  }
0x84: {  	_ =	shalt  }
0x85: {  	_ =	shalt  }
0x86: {  	_ =	shalt  }
0x87: {  	_ =	shalt  }
.Lfunc_end0:
.L_simem_size_0:
called_computation.2_lowered:
.L_overlay_start_0:
0x88: {  	s2 =	sld [smem:$0x3FD9]  }
0x89: {  	s3 =	sld [smem:$0x3FFE];
	_ =	sdelay $0x1  }
0x8a: {  	s1 =	srdreg.scid  }
0x8b: {  	s0 =	sand.u32 $0x1, s1  }
0x8c: {  	s17 =	sshll.u32 s0, $0xA;
	s2 =	sadd.s32 s3, s2  }
0x8d: {  	s2 =	sadd.s32 s2, s17  }
0x8e: {  	[smem:$0x3FB9] =	sst s2  }
0x8f: {  	_ = 	snop  }
0x90: {  	s2 =	sld [smem:$0x3FD0];
	(tm) =	ssettm $0x1  }
0x91: {  	s18 =	sld [smem:$0x3FFB];
	_ =	sdelay $0x3  }
0x92: {  	_ =	strace s18  }
0x93: {  	s3 =	sld [smem:$0x3FFC];
	_ =	sdelay $0x3  }
0x94: {  	_ =	strace s3  }
0x95: {  	s3 =	sld [smem:$0x3FFD];
	_ =	sdelay $0x3  }
0x96: {  	_ =	strace s3  }
0x97: {  	_ =	strace $0x8FFFFFFF  }
0x98: {  	s19 =	sld [smem:$0x3FDB];
	_ =	sdelay $0x1  }
0x99: {  	s4 =	simm.s32 $_scs_section_size  }
0x9a: {  	s5 =	simm.s32 $_size__tile_overlayer_lowered;
	s6 =	simm.s32 $_tile_overlayer_lowered  }
0x9b: {  	s22 =	simm.s32 $0x1BFF;
	s21 =	sshll.u32 s6, $0x1;
	s3 =	sadd.s32 s4, s19  }
0x9c: {  	s7 =	simm.s32 $0x0;
	s20 =	sshll.u32 s5, $0x1;
	s5 =	sadd.s32 s21, s3  }
0x9d: {  	[timem:s7], [sflag:s22] =	dma.local [hbm:s5], s20  }
0x9e: {  	_ =	swait.ge [sflag:s22], s20  }
0x9f: {  	s4 =	ssub.s32 $0x0, s20;
	[sflag:s22] =	ssyncset.done $0x0  }
0xa0: {  	[sflag:s22] =	ssyncadd.s32 s4;
	_ =	sdelay $0x1  }
0xa1: {  	s23 =	simm.s32 $0x1B8B  }
0xa2: {  	_ =	swait.ge [sflag:s23], $0x1  }
0xa3: {  	[sflag:s23] =	ssyncset.done $0x0  }
0xa4: {  	s25 =	simm.s32 $0x1B8E;
	s24 =	sld [smem:$0x3FFE];
	[sflag:s23] =	ssyncadd.s32 $0xFFFFFFFF  }
0xa5: {  	s26 =	simm.s32 $execute0_lowered;
	[smem:$0x3FD2] =	sst s25  }
0xa6: {  	s5 =	sshll.u32 s26, $0x1;
	_ =	strace $0x8000004C;
	[dreg:$0x1] =	wrdreg $0xFFFFFFFF  }
0xa7: {  	s28 =	simm.s32 $_size_execute0_lowered;
	s3 =	sadd.s32 s3, s5;
	[dreg:$0x0] =	wrdreg $0x0  }
0xa8: {  	s5 =	sshll.u32 s28, $0x1;
	[dreg:$0x2] =	wrdreg s3  }
0xa9: {  	[dreg:$0x3] =	wrdreg s5  }
0xaa: {  	[dreg:$0x4] =	wrdreg $0xC0  }
0xab: {  	_ =	task [dreg:s7], $0x5FFFF  }
0xac: {  	[dreg:$0x1] =	wrdreg $0xFFFFFFFF  }
0xad: {  	[dreg:$0x0] =	wrdreg $0x60  }
0xae: {  	[dreg:$0x2] =	wrdreg s24  }
0xaf: {  	[dreg:$0x3] =	wrdreg s2  }
0xb0: {  	[dreg:$0x4] =	wrdreg $0x9  }
0xb1: {  	_ =	task.clear_ibuf [dreg:s7], $0x5FFFF;
	_ =	strace $0x9000004C  }
0xb2: {  	s29 =	simm.s32 $0x9;
	_ =	strace $0x8000004E  }
0xb3: {  	_ =	swait.ge [sflag:s29], $0x1  }
0xb4: {  	[sflag:s29] =	ssyncadd.s32 $0xFFFFFFFF  }
0xb5: {  	_ =	strace $0x9000004E  }
0xb6: {  	_ =	sfence  }
0xb7: {  	s30 =	sld [smem:$0x0];
	_ =	sdelay $0x2  }
0xb8: {  	s31 =	sshll.u32 s1, $0xD;
	s1 =	sshrl.u32 s1, $0x2  }
0xb9: {  	s3 =	sand.u32 $0x4000, s31;
	s1 =	sadd.s32 s1, s30  }
0xba: {  	s0 =	sor.u32 s3, s0;
	s1 =	sshll.u32 s1, $0x11  }
0xbb: {  	s0 =	sor.u32 s1, s0  }
0xbc: {  	s0 =	sadd.s32 $0x8F2B, s0  }
0xbd: {  	[sflag:s0] =	ssyncadd.remote.s32 $0x1  }
0xbe: {  	_ =	sfence.sel $0xFFFF  }
0xbf: {  	[dreg:$0x0] =	wrdreg $0xFFFFFFFF;
	(pc) =	sbr.abs _section_cstart, $3  }
0xc0: {  	[dreg:$0x1] =	wrdreg $0xFFFFFFFF  }
0xc1: {  	_ =	task.clear_ibuf [dreg:s7], $0x2FFFF;
	_ =	strace $0x9FFFFFFF  }
0xc2: {  	(tm) =	ssettm $0x7FFFFFFF  }
0xc3: {  	_ =	shalt  }
tec
execute0_lowered:
.L_overlay_start_1:
0x0: {  	(tag) =	ssettag $0x1  }
0x1: {  	s6 =	rddreg [dreg:$0x0]  }
0x2: {  	s1 =	rddreg [dreg:$0x1]  }
0x3: {  	s0 =	rddreg [dreg:$0x2];
	s2 =	simm.s32 $0x0  }
0x4: {  	s3 =	srdreg.scid;
	s11 =	simm.s32 $0x50;
	s12 =	simm.s32 $0x2880  }
0x5: {  	s13 =	simm.s32 $0x1;
	s14 =	simm.s32 $0x0;
	[smem:$0x7FF] =	sst s2  }
0x6: {  	s7 =	sand.u32 $0x1, s3;
	s3 =	stileid.u32;
	s4 =	sadd.s32 $0xF33200, s6  }
0x7: {  	s5 =	sadd.s32 $0xDE00, s6;
	s6 =	sadd.s32 $0x17C00, s6;
	s8 =	ssub.s32 $0x2, s7  }
0x8: {  	_ =	strace $0x8000004D;
	s10 =	sshll.u32 s3, $0x1;
	s9 =	sshrl.u32 s8, $0x1  }
0x9: {  	s7 =	sor.u32 s7, s10;
	s10 =	simm.s32 $0x80;
	s8 =	ssub.s32 s8, s9  }
0xa: {  	s7 =	smul.u32 $0x2710, s7;
	s9 =	simm.s32 $0x2;
	s8 =	smax.u32 s8, $0x1  }
.LBB2_1:
0xb: {  	s15 =	simm.s32 $0x0  }
.LBB2_2:
0xc: {  	s16 =	smul.u32 $0x50, s15;
	_ =	sdelay $0x1  }
0xd: {  	s16 =	sadd.s32 s7, s16  }
0xe: {  	s17 =	sshrl.u32 s16, $0x3  }
0xf: {  	s18 =	simm.s32 $0x0;
	s17 =	sadd.s32 s5, s17  }
0x10: {  	[tilespmem:s18], [sflag:$0x2] =	stream.linear.gather [hbm4b:s17+s18], $0x50, $0x38;
	[tilespmem:$0x5080] =	vst v63  }
0x11: {  	_ =	swait.ge [sflag:s9], $0x50  }
0x12: {  	s16 =	sshll.u32 s16, $0x4;
	[sflag:s9] =	ssyncset.done $0x0  }
0x13: {  	s31 =	sadd.s32 s4, s16;
	[sflag:s9] =	ssyncadd.s32 $0xFFFFFFB0  }
0x14: {  	[tilespmem:s10], [sflag:$0x2] =	stream.linear.gather [hbm4b:s31+s18], $0x2800, $0x38;
	[tilespmem:$0x5080] =	vst v63  }
0x15: {  	_ =	swait.ge [sflag:s9], $0x2800  }
0x16: {  	[sflag:s9] =	ssyncset.done $0x0  }
0x17: {  	[sflag:s9] =	ssyncadd.s32 $0xFFFFD800  }
0x18: {  	[tilespmem:s12], [sflag:$0x1] =	stream.indirect.gather [hbm4b:s1+s11], $0x80, s18, s11, $0xb8;
	[tilespmem:$0x5080] =	vst v63  }
0x19: {  	_ =	swait.ge [sflag:s13], $0x2800  }
0x1a: {  	[sflag:s13] =	ssyncset.done $0x0  }
0x1b: {  	s17 =	simm.s32 $0x0;
	[sflag:s13] =	ssyncadd.s32 $0xFFFFD800  }
0x1c: {  	s18 =	simm.s32 $0x200;
	v0 =	vld [tilespmem:s17+$0x2880]  }
.LBB2_3:
0x1d: {  	p0 =	sne.s32 s18, $0x9E00;
	v1 =	vld [tilespmem:s17+$0x80];
	_ =	sdelay $0x2  }
.Ltmp0:
0x1e: {  	(pc) =	sbr.rel @p0 .LBB2_3-.Ltmp0, $4  }
0x1f: {  	_ = 	snop  }
0x20: {  	v1 =	vmul.f32 v0, v1  }
0x21: {  	s19 =	sshra.s32 s18, $0x2  }
0x22: {  	s18 =	sadd.s32 $0x200, s18;
	v0 =	vld [tilespmem:s19+$0x2880];
	[tilespmem:s17+$0x80] =	vst v1;
	s17 =	smov.u32 s19  }
0x23: {  	v1 =	vld [tilespmem:s17+$0x80];
	_ =	sdelay $0x4  }
0x24: {  	s15 =	sadd.s32 $0x1, s15;
	v0 =	vmul.f32 v0, v1  }
0x25: {  	p0 =	sne.s32 s15, $0x7D  }
.Ltmp1:
0x26: {  	s16 =	sadd.s32 s6, s16;
	[tilespmem:s17+$0x80] =	vst v0;
	(pc) =	sbr.rel @p0 .LBB2_2-.Ltmp1, $4  }
0x27: {  	[hbm4b:s16+s2] =	stream.linear.scatter [tilespmem:s10], [sflag:$0x2], $0x2800, $0x38;
	[tilespmem:$0x5080] =	vst v63  }
0x28: {  	_ =	swait.ge [sflag:s9], $0x2800  }
0x29: {  	[sflag:s9] =	ssyncset.done $0x0  }
0x2a: {  	[sflag:s9] =	ssyncadd.s32 $0xFFFFD800  }
0x2b: {  	s14 =	sadd.s32 $0x1, s14  }
0x2c: {  	p0 =	sne.s32 s14, s8  }
.Ltmp2:
0x2d: {  	_ = 	snop;
	(pc) =	sbr.rel @p0 .LBB2_1-.Ltmp2, $1  }
0x2e: {  	_ =	sdelay $0x3  }
0x2f: {  	_ =	sfence.sel $0x180000  }
0x30: {  	[bflag:$0x0] =	sbarrier.arrive $0xFFFF  }
0x31: {  	p0 =	sne.s32 s3, $0x0;
	_ =	strace $0x9000004D  }
0x32: {  	s0 =	sadd.s32 @!p0 $0x100000, s0;
	[bflag:$0x2] =	sbarrier.arrive $0xFFFF  }
0x33: {  	[sflag:s0] =	ssyncadd.tile.s32 @!p0 $0x1;
	_ =	shalt  }
.Lfunc_end2:
_tile_overlayer_lowered:
.L_overlay_start_2:
0x34: {  	(tag) =	ssettag $0x2  }
0x35: {  	s0 =	rddreg [dreg:$0x0];
	s2 =	stileid.u32  }
0x36: {  	s1 =	rddreg [dreg:$0x1];
	p0 =	sne.s32 s2, $0x0  }
0x37: {  	s3 =	rddreg [dreg:$0x2];
	[bflag:$0x3] =	sbarrier.arrive $0xFFFF;
	s2 =	simm.s32 @!p0 $0x1C02  }
0x38: {  	[timem:s3], [sflag:s2] =	dma.local @!p0 [hbm:s0], s1  }
0x39: {  	s0 =	simm.s32 @!p0 $0x2  }
0x3a: {  	_ =	swait.ge @!p0 [sflag:s0], s1  }
0x3b: {  	s1 =	ssub.s32 @!p0 $0x0, s1;
	[sflag:s0] =	ssyncset.done @!p0 $0x0  }
0x3c: {  	[sflag:s0] =	ssyncadd.s32 @!p0 s1  }
0x3d: {  	[bflag:$0x3] =	sbarrier.arrive $0xFFFF  }
0x3e: {  	_ =	shalt  }

// kernel: kernel.9.cloned.1.call-start
scs
__scs_entry_jumppad:
0x0: {  	(pc) =	sbr.rel $0x88, $3  }
0x1: {  	(tag) =	ssettag $0x0;
	lr =	simm.s32 $0x1  }
0x2: {  	[smem:$0x3F92] =	sst lr;
	_ =	strace $0xD0000000  }
0x3: {  	_ = 	snop  }
0x4: {  	_ = 	snop  }
0x5: {  	_ = 	snop  }
0x6: {  	_ = 	snop  }
0x7: {  	_ = 	snop  }
__scs_overlays_trampoline_lowered:
0x8: {  	[smem:$0x3FA1] =	sst s0  }
0x9: {  	[smem:$0x3FA2] =	sst s1  }
0xa: {  	[smem:$0x3FA3] =	sst s2  }
0xb: {  	[smem:$0x3FA4] =	sst s3  }
0xc: {  	[smem:$0x3FA5] =	sst s4  }
0xd: {  	[smem:$0x3FA6] =	sst s5  }
0xe: {  	[smem:$0x3FA7] =	sst s6  }
0xf: {  	[smem:$0x3FA8] =	sst s7  }
0x10: {  	[smem:$0x3FA9] =	sst s8  }
0x11: {  	[smem:$0x3FAA] =	sst s9;
	s0 =	simm.s32 @!p0 $0x0  }
0x12: {  	s1 =	sld [smem:$0x3F90];
	s0 =	simm.s32 @p0 $0x1  }
0x13: {  	[smem:$0x3FAB] =	sst s0;
	s0 =	simm.s32 @!p1 $0x0  }
0x14: {  	s2 =	sld [smem:$0x3F8F];
	s0 =	simm.s32 @p1 $0x1  }
0x15: {  	[smem:$0x3FAC] =	sst s0;
	s0 =	simm.s32 @!p2 $0x0  }
0x16: {  	s3 =	sld [smem:$0x3FDB];
	s0 =	simm.s32 @p2 $0x1  }
0x17: {  	s4 =	simm.s32 $0x1BF5;
	[smem:$0x3FAE] =	sst s0  }
0x18: {  	s0 =	sld [smem:$0x3F91];
	_ =	swait.ge [sflag:s4], $0x0  }
0x19: {  	s7 =	sld [smem:$0x3F92]  }
0x1a: {  	s8 =	sadd.s32 $0xFFFFE003, lr  }
0x1b: {  	s9 =	sadd.s32 $0xFFFFFEF7, lr;
	s5 =	simm.s32 $0xFFFFFFFF;
	p2 =	slt.u32 s8, $0xFFFFF086  }
0x1c: {  	p1 =	slt.u32 s9, $0xF7A;
	s5 =	simm.s32 @!p2 $0x0  }
0x1d: {  	s5 =	simm.s32 @p1 $0x1;
	p0 =	seq.s32 s7, s2  }
0x1e: {  	s7 =	smul.u32 @!p0 $0xF7A, s2;
	p2 =	seq.s32 @!p0 s5, $0x0  }
0x1f: {  	s9 =	smul.u32 $0xF7A, s1;
	s8 =	simm.s32 @!p0 $0x1BF5;
	p2 =	por !p2, p0  }
0x20: {  	[sflag:s8] =	ssyncset.s32 @!p0 $0xFFFFF086;
	s6 =	sadd.s32 @!p0 s3, s7;
	s7 =	simm.s32 @!p0 $0x108  }
0x21: {  	s3 =	sadd.s32 s3, s9;
	s6 =	sadd.s32 @!p0 $0x88, s6;
	s7 =	simm.s32 @p2 $0x1082  }
0x22: {  	[simem:s7], [sflag:s8] =	dma.local @!p0 [hbm:s6], $0xF7A  }
0x23: {  	s9 =	sor.u32 $0xD0000000, s2;
	s6 =	simm.s32 $0x108;
	_ =	swait.ge @!p0 [sflag:s8], $0x0  }
0x24: {  	s3 =	sadd.s32 $0x88, s3;
	s6 =	simm.s32 @!p1 $0x1082;
	[sflag:s4] =	ssyncset.s32 $0xFFFFF086  }
0x25: {  	[simem:s6], [sflag:s4] =	dma.local [hbm:s3], $0xF7A  }
0x26: {  	[smem:$0x3F92] =	sst s1;
	(tag) =	ssettag s2;
	_ =	strace s9  }
0x27: {  	s1 =	sld [smem:$0x3FA2]  }
0x28: {  	s2 =	sld [smem:$0x3FA3]  }
0x29: {  	s4 =	sld [smem:$0x3FA5]  }
0x2a: {  	p0 =	seq.s32 s5, $0x0;
	s5 =	sld [smem:$0x3FA6]  }
0x2b: {  	s6 =	sld [smem:$0x3FA7]  }
0x2c: {  	s7 =	sld [smem:$0x3FA8]  }
0x2d: {  	s3 =	simm.s32 $0x108;
	s8 =	sld [smem:$0x3FA9]  }
0x2e: {  	s3 =	simm.s32 @!p0 $0x1082;
	s9 =	sld [smem:$0x3FAA]  }
0x2f: {  	lr =	sadd.s32 s0, s3;
	s0 =	sld [smem:$0x3FA1]  }
0x30: {  	s3 =	sld [smem:$0x3FA4]  }
0x31: {  	[smem:$0x3FAD] =	sst s10  }
0x32: {  	s10 =	sld [smem:$0x3FAB];
	_ =	sdelay $0x3  }
0x33: {  	p0 =	seq.s32 s10, $0x1;
	s10 =	sld [smem:$0x3FAD];
	_ =	sdelay $0x3  }
0x34: {  	[smem:$0x3FAD] =	sst s10  }
0x35: {  	s10 =	sld [smem:$0x3FAC];
	_ =	sdelay $0x3  }
0x36: {  	p1 =	seq.s32 s10, $0x1;
	s10 =	sld [smem:$0x3FAD];
	_ =	sdelay $0x3  }
0x37: {  	[smem:$0x3FAD] =	sst s10  }
0x38: {  	s10 =	sld [smem:$0x3FAE]  }
0x39: {  	_ = 	snop;
	(pc) =	sbr.ind lr, $3  }
0x3a: {  	_ = 	snop  }
0x3b: {  	_ = 	snop  }
0x3c: {  	p2 =	seq.s32 s10, $0x1;
	s10 =	sld [smem:$0x3FAD]  }
0x3d: {  	_ =	shalt  }
0x3e: {  	_ =	shalt  }
0x3f: {  	_ =	shalt  }
0x40: {  	_ =	shalt  }
0x41: {  	_ =	shalt  }
0x42: {  	_ =	shalt  }
0x43: {  	_ =	shalt  }
0x44: {  	_ =	shalt  }
0x45: {  	_ =	shalt  }
0x46: {  	_ =	shalt  }
0x47: {  	_ =	shalt  }
0x48: {  	_ =	shalt  }
0x49: {  	_ =	shalt  }
0x4a: {  	_ =	shalt  }
0x4b: {  	_ =	shalt  }
0x4c: {  	_ =	shalt  }
0x4d: {  	_ =	shalt  }
0x4e: {  	_ =	shalt  }
0x4f: {  	_ =	shalt  }
0x50: {  	_ =	shalt  }
0x51: {  	_ =	shalt  }
0x52: {  	_ =	shalt  }
0x53: {  	_ =	shalt  }
0x54: {  	_ =	shalt  }
0x55: {  	_ =	shalt  }
0x56: {  	_ =	shalt  }
0x57: {  	_ =	shalt  }
0x58: {  	_ =	shalt  }
0x59: {  	_ =	shalt  }
0x5a: {  	_ =	shalt  }
0x5b: {  	_ =	shalt  }
0x5c: {  	_ =	shalt  }
0x5d: {  	_ =	shalt  }
0x5e: {  	_ =	shalt  }
0x5f: {  	_ =	shalt  }
0x60: {  	_ =	shalt  }
0x61: {  	_ =	shalt  }
0x62: {  	_ =	shalt  }
0x63: {  	_ =	shalt  }
0x64: {  	_ =	shalt  }
0x65: {  	_ =	shalt  }
0x66: {  	_ =	shalt  }
0x67: {  	_ =	shalt  }
0x68: {  	_ =	shalt  }
0x69: {  	_ =	shalt  }
0x6a: {  	_ =	shalt  }
0x6b: {  	_ =	shalt  }
0x6c: {  	_ =	shalt  }
0x6d: {  	_ =	shalt  }
0x6e: {  	_ =	shalt  }
0x6f: {  	_ =	shalt  }
0x70: {  	_ =	shalt  }
0x71: {  	_ =	shalt  }
0x72: {  	_ =	shalt  }
0x73: {  	_ =	shalt  }
0x74: {  	_ =	shalt  }
0x75: {  	_ =	shalt  }
0x76: {  	_ =	shalt  }
0x77: {  	_ =	shalt  }
0x78: {  	_ =	shalt  }
0x79: {  	_ =	shalt  }
0x7a: {  	_ =	shalt  }
0x7b: {  	_ =	shalt  }
0x7c: {  	_ =	shalt  }
0x7d: {  	_ =	shalt  }
0x7e: {  	_ =	shalt  }
0x7f: {  	_ =	shalt  }
0x80: {  	_ =	shalt  }
0x81: {  	_ =	shalt  }
0x82: {  	_ =	shalt  }
0x83: {  	_ =	shalt  }
0x84: {  	_ =	shalt  }
0x85: {  	_ =	shalt  }
0x86: {  	_ =	shalt  }
0x87: {  	_ =	shalt  }
.Lfunc_end0:
.L_simem_size_0:
called_computation_lowered:
.L_overlay_start_0:
0x88: {  	s2 =	sld [smem:$0x3FD9]  }
0x89: {  	s3 =	sld [smem:$0x3FFE];
	_ =	sdelay $0x1  }
0x8a: {  	s1 =	srdreg.scid  }
0x8b: {  	s0 =	sand.u32 $0x1, s1  }
0x8c: {  	s16 =	sshll.u32 s0, $0xA;
	s2 =	sadd.s32 s3, s2  }
0x8d: {  	s2 =	sadd.s32 s2, s16  }
0x8e: {  	[smem:$0x3FB9] =	sst s2  }
0x8f: {  	_ = 	snop  }
0x90: {  	(tm) =	ssettm $0x1  }
0x91: {  	s17 =	sld [smem:$0x3FFB];
	_ =	sdelay $0x3  }
0x92: {  	_ =	strace s17  }
0x93: {  	s2 =	sld [smem:$0x3FFC];
	_ =	sdelay $0x3  }
0x94: {  	_ =	strace s2  }
0x95: {  	s2 =	sld [smem:$0x3FFD];
	_ =	sdelay $0x3  }
0x96: {  	_ =	strace s2  }
0x97: {  	_ =	strace $0x8FFFFFFF  }
0x98: {  	s18 =	sld [smem:$0x3FDB];
	_ =	sdelay $0x1  }
0x99: {  	s19 =	simm.s32 $_scs_section_size  }
0x9a: {  	s4 =	simm.s32 $_size__tile_overlayer_lowered;
	s5 =	simm.s32 $_tile_overlayer_lowered  }
0x9b: {  	s22 =	simm.s32 $0x1BFF;
	s21 =	sshll.u32 s5, $0x1;
	s2 =	sadd.s32 s19, s18  }
0x9c: {  	s6 =	simm.s32 $0x0;
	s20 =	sshll.u32 s4, $0x1;
	s4 =	sadd.s32 s21, s2  }
0x9d: {  	[timem:s6], [sflag:s22] =	dma.local [hbm:s4], s20  }
0x9e: {  	_ =	swait.ge [sflag:s22], s20  }
0x9f: {  	s3 =	ssub.s32 $0x0, s20;
	[sflag:s22] =	ssyncset.done $0x0  }
0xa0: {  	[sflag:s22] =	ssyncadd.s32 s3;
	_ =	sdelay $0x1  }
0xa1: {  	s23 =	simm.s32 $0x1B8B  }
0xa2: {  	_ =	swait.ge [sflag:s23], $0x1  }
0xa3: {  	[sflag:s23] =	ssyncset.done $0x0  }
0xa4: {  	s25 =	simm.s32 $0x1B8E;
	s24 =	sld [smem:$0x3FFE];
	[sflag:s23] =	ssyncadd.s32 $0xFFFFFFFF  }
0xa5: {  	s26 =	simm.s32 $execute0_lowered;
	[smem:$0x3FD2] =	sst s25  }
0xa6: {  	s4 =	sshll.u32 s26, $0x1;
	_ =	strace $0x80000046;
	[dreg:$0x1] =	wrdreg $0xFFFFFFFF  }
0xa7: {  	s28 =	simm.s32 $_size_execute0_lowered;
	s2 =	sadd.s32 s2, s4;
	[dreg:$0x0] =	wrdreg $0x0  }
0xa8: {  	s4 =	sshll.u32 s28, $0x1;
	[dreg:$0x2] =	wrdreg s2  }
0xa9: {  	[dreg:$0x3] =	wrdreg s4  }
0xaa: {  	[dreg:$0x4] =	wrdreg $0xC0  }
0xab: {  	_ =	task [dreg:s6], $0x5FFFF  }
0xac: {  	[dreg:$0x1] =	wrdreg $0xFFFFFFFF  }
0xad: {  	[dreg:$0x0] =	wrdreg $0x60  }
0xae: {  	[dreg:$0x2] =	wrdreg s24  }
0xaf: {  	[dreg:$0x3] =	wrdreg $0x9  }
0xb0: {  	_ =	task.clear_ibuf [dreg:s6], $0x4FFFF;
	_ =	strace $0x90000046  }
0xb1: {  	s29 =	simm.s32 $0x9;
	_ =	strace $0x80000048  }
0xb2: {  	_ =	swait.ge [sflag:s29], $0x1  }
0xb3: {  	[sflag:s29] =	ssyncadd.s32 $0xFFFFFFFF  }
0xb4: {  	_ =	strace $0x90000048  }
0xb5: {  	_ =	sfence  }
0xb6: {  	s30 =	sld [smem:$0x0];
	_ =	sdelay $0x2  }
0xb7: {  	s31 =	sshll.u32 s1, $0xD;
	s1 =	sshrl.u32 s1, $0x2  }
0xb8: {  	s3 =	sand.u32 $0x4000, s31;
	s1 =	sadd.s32 s1, s30  }
0xb9: {  	s0 =	sor.u32 s3, s0;
	s1 =	sshll.u32 s1, $0x11  }
0xba: {  	s0 =	sor.u32 s1, s0  }
0xbb: {  	s0 =	sadd.s32 $0x8F2B, s0  }
0xbc: {  	[sflag:s0] =	ssyncadd.remote.s32 $0x1  }
0xbd: {  	_ =	sfence.sel $0xFFFF  }
0xbe: {  	[dreg:$0x0] =	wrdreg $0xFFFFFFFF;
	(pc) =	sbr.abs _section_cstart, $3  }
0xbf: {  	[dreg:$0x1] =	wrdreg $0xFFFFFFFF  }
0xc0: {  	_ =	task.clear_ibuf [dreg:s6], $0x2FFFF;
	_ =	strace $0x9FFFFFFF  }
0xc1: {  	(tm) =	ssettm $0x7FFFFFFF  }
tec
execute0_lowered:
.L_overlay_start_1:
0x0: {  	(tag) =	ssettag $0x1  }
0x1: {  	s6 =	rddreg [dreg:$0x0]  }
0x2: {  	s0 =	rddreg [dreg:$0x1];
	s2 =	simm.s32 $0x0;
	s3 =	srdreg.scid  }
0x3: {  	s1 =	stileid.u32;
	s12 =	simm.s32 $0x2;
	s13 =	simm.s32 $0x80  }
0x4: {  	s14 =	simm.s32 $0x50;
	s15 =	simm.s32 $0x100;
	s16 =	simm.s32 $0x2900  }
0x5: {  	s17 =	simm.s32 $0x5100;
	s18 =	simm.s32 $0x1;
	s8 =	smul.u32 $0x4E20, s1  }
0x6: {  	s19 =	simm.s32 $0x0;
	s7 =	sand.u32 $0x1, s3;
	s10 =	smul.u32 $0x4E200, s1  }
0x7: {  	[smem:$0x7FF] =	sst s2;
	s3 =	sadd.s32 $0x17C00, s6;
	s9 =	smul.u32 $0x2710, s7  }
0x8: {  	s4 =	sadd.s32 $0x3EE00, s6;
	s11 =	ssub.s32 $0x2, s7;
	s7 =	smul.u32 $0x27100, s7  }
0x9: {  	s5 =	sadd.s32 $0x66000, s6;
	_ =	strace $0x80000047;
	s29 =	sadd.s32 s10, s6  }
0xa: {  	s30 =	sshrl.u32 s11, $0x1;
	s8 =	sadd.s32 s9, s8;
	s9 =	sadd.s32 s7, s29  }
0xb: {  	s10 =	ssub.s32 s11, s30;
	s8 =	sshrl.u32 s8, $0x3;
	s7 =	sadd.s32 $0x56F200, s9  }
0xc: {  	s31 =	sadd.s32 s8, s6;
	s6 =	smax.u32 s10, $0x1;
	s8 =	sadd.s32 $0x8D200, s9  }
0xd: {  	s9 =	sadd.s32 $0xA51200, s9;
	s10 =	sadd.s32 $0x4000, s31;
	s11 =	sadd.s32 $0xDE00, s31  }
.LBB2_1:
0xe: {  	[tilespmem:s2], [sflag:$0x2] =	stream.linear.gather [hbm4b:s11+s2], $0x50, $0x38;
	[tilespmem:$0x7900] =	vst v63  }
0xf: {  	_ =	swait.ge [sflag:s12], $0x50  }
0x10: {  	[sflag:s12] =	ssyncset.done $0x0  }
0x11: {  	[sflag:s12] =	ssyncadd.s32 $0xFFFFFFB0  }
0x12: {  	[tilespmem:s13], [sflag:$0x2] =	stream.linear.gather [hbm4b:s10+s2], $0x50, $0x38;
	[tilespmem:$0x7900] =	vst v63  }
0x13: {  	_ =	swait.ge [sflag:s12], $0x50  }
0x14: {  	[sflag:s12] =	ssyncset.done $0x0  }
0x15: {  	[sflag:s12] =	ssyncadd.s32 $0xFFFFFFB0  }
0x16: {  	[tilespmem:s15], [sflag:$0x1] =	stream.indirect.gather [hbm4b:s3+s14], $0x80, s2, s14, $0xb8;
	[tilespmem:$0x7900] =	vst v63  }
0x17: {  	_ = 	snop  }
0x18: {  	[tilespmem:s16], [sflag:$0x1] =	stream.indirect.gather [hbm4b:s4+s14], $0x80, s13, s14, $0xb8;
	[tilespmem:$0x7900] =	vst v63  }
0x19: {  	_ = 	snop  }
0x1a: {  	[tilespmem:s17], [sflag:$0x1] =	stream.indirect.gather [hbm4b:s5+s14], $0x80, s13, s14, $0xb8;
	[tilespmem:$0x7900] =	vst v63  }
0x1b: {  	_ =	swait.ge [sflag:s18], $0x2800  }
0x1c: {  	[sflag:s18] =	ssyncset.done $0x0  }
0x1d: {  	[sflag:s18] =	ssyncadd.s32 $0xFFFFD800  }
0x1e: {  	_ =	swait.ge [sflag:s18], $0x2800  }
0x1f: {  	[sflag:s18] =	ssyncset.done $0x0  }
0x20: {  	[sflag:s18] =	ssyncadd.s32 $0xFFFFD800  }
0x21: {  	_ =	swait.ge [sflag:s18], $0x2800  }
0x22: {  	[sflag:s18] =	ssyncset.done $0x0  }
0x23: {  	s20 =	sadd.s32 $0x0, s8;
	[sflag:s18] =	ssyncadd.s32 $0xFFFFD800  }
0x24: {  	[hbm4b:s20+s2] =	stream.linear.scatter [tilespmem:s15], [sflag:$0x2], $0x2800, $0x38;
	[tilespmem:$0x7900] =	vst v63  }
0x25: {  	_ =	swait.ge [sflag:s12], $0x2800  }
0x26: {  	[sflag:s12] =	ssyncset.done $0x0  }
0x27: {  	s30 =	sadd.s32 $0x0, s7;
	[sflag:s12] =	ssyncadd.s32 $0xFFFFD800  }
0x28: {  	[hbm4b:s30+s2] =	stream.linear.scatter [tilespmem:s16], [sflag:$0x2], $0x2800, $0x38;
	[tilespmem:$0x7900] =	vst v63  }
0x29: {  	_ =	swait.ge [sflag:s12], $0x2800  }
0x2a: {  	[sflag:s12] =	ssyncset.done $0x0  }
0x2b: {  	s31 =	sadd.s32 $0x0, s9;
	[sflag:s12] =	ssyncadd.s32 $0xFFFFD800  }
0x2c: {  	[hbm4b:s31+s2] =	stream.linear.scatter [tilespmem:s17], [sflag:$0x2], $0x2800, $0x38;
	[tilespmem:$0x7900] =	vst v63  }
0x2d: {  	s21 =	smov.u32 s10;
	_ =	swait.ge [sflag:s12], $0x2800  }
0x2e: {  	s22 =	smov.u32 s11;
	s20 =	simm.s32 $0x500;
	[sflag:s12] =	ssyncset.done $0x0  }
.LBB2_2:
0x2f: {  	[sflag:s12] =	ssyncadd.s32 $0xFFFFD800  }
0x30: {  	s21 =	sadd.s32 $0xA, s21;
	s22 =	sadd.s32 $0xA, s22;
	s23 =	smov.u32 s20  }
0x31: {  	[tilespmem:s2], [sflag:$0x2] =	stream.linear.gather [hbm4b:s22+s2], $0x50, $0x38;
	[tilespmem:$0x7900] =	vst v63  }
0x32: {  	p0 =	sne.s32 s20, $0x26C00;
	s20 =	sadd.s32 $0x500, s20;
	_ =	swait.ge [sflag:s12], $0x50  }
0x33: {  	[sflag:s12] =	ssyncset.done $0x0  }
0x34: {  	[sflag:s12] =	ssyncadd.s32 $0xFFFFFFB0  }
0x35: {  	[tilespmem:s13], [sflag:$0x2] =	stream.linear.gather [hbm4b:s21+s2], $0x50, $0x38;
	[tilespmem:$0x7900] =	vst v63  }
0x36: {  	_ =	swait.ge [sflag:s12], $0x50  }
0x37: {  	[sflag:s12] =	ssyncset.done $0x0  }
0x38: {  	[sflag:s12] =	ssyncadd.s32 $0xFFFFFFB0  }
0x39: {  	[tilespmem:s15], [sflag:$0x1] =	stream.indirect.gather [hbm4b:s3+s14], $0x80, s2, s14, $0xb8;
	[tilespmem:$0x7900] =	vst v63  }
0x3a: {  	_ = 	snop  }
0x3b: {  	[tilespmem:s16], [sflag:$0x1] =	stream.indirect.gather [hbm4b:s4+s14], $0x80, s13, s14, $0xb8;
	[tilespmem:$0x7900] =	vst v63  }
0x3c: {  	_ = 	snop  }
0x3d: {  	[tilespmem:s17], [sflag:$0x1] =	stream.indirect.gather [hbm4b:s5+s14], $0x80, s13, s14, $0xb8;
	[tilespmem:$0x7900] =	vst v63  }
0x3e: {  	_ =	swait.ge [sflag:s18], $0x2800  }
0x3f: {  	[sflag:s18] =	ssyncset.done $0x0  }
0x40: {  	[sflag:s18] =	ssyncadd.s32 $0xFFFFD800  }
0x41: {  	_ =	swait.ge [sflag:s18], $0x2800  }
0x42: {  	[sflag:s18] =	ssyncset.done $0x0  }
0x43: {  	[sflag:s18] =	ssyncadd.s32 $0xFFFFD800  }
0x44: {  	_ =	swait.ge [sflag:s18], $0x2800  }
0x45: {  	[sflag:s18] =	ssyncset.done $0x0  }
0x46: {  	s24 =	sadd.s32 s23, s8;
	[sflag:s18] =	ssyncadd.s32 $0xFFFFD800  }
0x47: {  	[hbm4b:s24+s2] =	stream.linear.scatter [tilespmem:s15], [sflag:$0x2], $0x2800, $0x38;
	[tilespmem:$0x7900] =	vst v63  }
0x48: {  	_ =	swait.ge [sflag:s12], $0x2800  }
0x49: {  	[sflag:s12] =	ssyncset.done $0x0  }
0x4a: {  	s24 =	sadd.s32 s23, s7;
	[sflag:s12] =	ssyncadd.s32 $0xFFFFD800  }
0x4b: {  	[hbm4b:s24+s2] =	stream.linear.scatter [tilespmem:s16], [sflag:$0x2], $0x2800, $0x38;
	[tilespmem:$0x7900] =	vst v63  }
0x4c: {  	_ =	swait.ge [sflag:s12], $0x2800  }
.Ltmp0:
0x4d: {  	[sflag:s12] =	ssyncset.done $0x0;
	(pc) =	sbr.rel @p0 .LBB2_2-.Ltmp0, $4  }
0x4e: {  	s23 =	sadd.s32 s23, s9;
	[sflag:s12] =	ssyncadd.s32 $0xFFFFD800  }
0x4f: {  	[hbm4b:s23+s2] =	stream.linear.scatter [tilespmem:s17], [sflag:$0x2], $0x2800, $0x38;
	[tilespmem:$0x7900] =	vst v63  }
0x50: {  	_ =	swait.ge [sflag:s12], $0x2800  }
0x51: {  	[sflag:s12] =	ssyncset.done $0x0  }
0x52: {  	s19 =	sadd.s32 $0x1, s19  }
0x53: {  	p0 =	sne.s32 s19, s6  }
.Ltmp1:
0x54: {  	_ = 	snop;
	(pc) =	sbr.rel @p0 .LBB2_1-.Ltmp1, $2  }
0x55: {  	_ =	sdelay $0x2  }
0x56: {  	[sflag:s12] =	ssyncadd.s32 $0xFFFFD800  }
0x57: {  	_ =	sfence.sel $0x180000  }
0x58: {  	[bflag:$0x0] =	sbarrier.arrive $0xFFFF  }
0x59: {  	p0 =	sne.s32 s1, $0x0;
	_ =	strace $0x90000047  }
0x5a: {  	s0 =	sadd.s32 @!p0 $0x100000, s0;
	[bflag:$0x2] =	sbarrier.arrive $0xFFFF  }
0x5b: {  	[sflag:s0] =	ssyncadd.tile.s32 @!p0 $0x1;
	_ =	shalt  }
.Lfunc_end2:
_tile_overlayer_lowered:
.L_overlay_start_2:
0x5c: {  	(tag) =	ssettag $0x2  }
0x5d: {  	s0 =	rddreg [dreg:$0x0];
	s2 =	stileid.u32  }
0x5e: {  	s1 =	rddreg [dreg:$0x1];
	p0 =	sne.s32 s2, $0x0  }
0x5f: {  	s3 =	rddreg [dreg:$0x2];
	[bflag:$0x3] =	sbarrier.arrive $0xFFFF;
	s2 =	simm.s32 @!p0 $0x1C02  }
0x60: {  	[timem:s3], [sflag:s2] =	dma.local @!p0 [hbm:s0], s1  }
0x61: {  	s0 =	simm.s32 @!p0 $0x2  }
0x62: {  	_ =	swait.ge @!p0 [sflag:s0], s1  }
0x63: {  	s1 =	ssub.s32 @!p0 $0x0, s1;
	[sflag:s0] =	ssyncset.done @!p0 $0x0  }
0x64: {  	[sflag:s0] =	ssyncadd.s32 @!p0 s1  }
0x65: {  	[bflag:$0x3] =	sbarrier.arrive $0xFFFF  }
0x66: {  	_ =	shalt  }

</sc_bundles>
